<compile_context>
chip_gen: v7x
topology: tpu7x:2x2x1
jax: 0.10.2.dev20260603
libtpu: 0.0.44.dev20260713+nightly
codegen_flags: <defaults>
</compile_context>

<pallas_src>
import functools

import jax
import jax.numpy as jnp
from jax import lax
from jax.experimental import pallas as pl
from jax.experimental.pallas import tpu as pltpu
from jax.experimental.pallas import tpu_sc as plsc

NC = 2
NS = 16
NW = NC * NS
CH = 128
LANES = 16


@functools.cache
def _build_sc(n_tok, vocab, dim, b):
    r_tok = n_tok - b
    r_per_w = r_tok // NW
    r_chunks = r_per_w // CH
    g_per_w = b // NW
    g_chunks = g_per_w // CH
    n_vec = dim // LANES
    assert r_tok % NW == 0 and r_per_w % CH == 0
    assert b % NW == 0 and g_per_w % CH == 0

    mesh = plsc.VectorSubcoreMesh(core_axis_name="c", subcore_axis_name="s")

    @functools.partial(
        pl.kernel,
        out_type=(
            jax.ShapeDtypeStruct((b, dim), jnp.float32),
            jax.ShapeDtypeStruct((NW * dim,), jnp.float32),
        ),
        mesh=mesh,
        compiler_params=pltpu.CompilerParams(use_tc_tiling_on_sc=False),
        scratch_types=[
            pltpu.VMEM((g_per_w,), jnp.int32),
            pltpu.VMEM((r_per_w,), jnp.int32),
            pltpu.VMEM((g_per_w, dim), jnp.float32),
            pltpu.VMEM((CH, dim), jnp.float32),
            pltpu.VMEM((CH, dim), jnp.float32),
            pltpu.VMEM((dim,), jnp.float32),
            pltpu.SemaphoreType.DMA,
            pltpu.SemaphoreType.DMA,
            pltpu.SemaphoreType.DMA,
        ],
    )
    def sc_fn(text_hbm, emb_hbm, mean_hbm, part_hbm,
              gidx, ridx, gout, buf0, buf1, accv, semg, sem0, sem1):
        wid = lax.axis_index("s") * NC + lax.axis_index("c")

        pltpu.sync_copy(text_hbm.at[pl.ds(wid * g_per_w, g_per_w)], gidx)
        rbase = pl.multiple_of(b + wid * r_per_w, 8)
        pltpu.sync_copy(text_hbm.at[pl.ds(rbase, r_per_w)], ridx)

        for j in range(g_chunks):
            pltpu.make_async_copy(
                emb_hbm.at[gidx.at[pl.ds(j * CH, CH)]],
                gout.at[pl.ds(j * CH, CH)],
                semg,
            ).start()

        def start(chunk, buf, sem):
            off = pl.multiple_of(chunk * CH, CH)
            pltpu.make_async_copy(
                emb_hbm.at[ridx.at[pl.ds(off, CH)]], buf, sem
            ).start()

        def wait(buf, sem):
            pltpu.make_async_copy(
                emb_hbm.at[ridx.at[pl.ds(0, CH)]], buf, sem
            ).wait()

        start(0, buf0, sem0)
        start(1, buf1, sem1)

        for j in range(g_chunks):
            pltpu.make_async_copy(
                emb_hbm.at[gidx.at[pl.ds(j * CH, CH)]],
                gout.at[pl.ds(j * CH, CH)],
                semg,
            ).wait()
        obase = pl.multiple_of(wid * g_per_w, 8)
        pltpu.sync_copy(gout, mean_hbm.at[pl.ds(obase, g_per_w)])

        def accum(buf, acc):
            def row(r, acc):
                return tuple(
                    acc[c] + buf[r, pl.ds(c * LANES, LANES)]
                    for c in range(n_vec)
                )
            return lax.fori_loop(0, CH, row, acc, unroll=8)

        def pair(i, acc):
            wait(buf0, sem0)
            acc = accum(buf0, acc)
            start(2 * i + 2, buf0, sem0)
            wait(buf1, sem1)
            acc = accum(buf1, acc)
            start(2 * i + 3, buf1, sem1)
            return acc

        acc = tuple(jnp.zeros((LANES,), jnp.float32) for _ in range(n_vec))
        acc = lax.fori_loop(0, r_chunks // 2 - 1, pair, acc)
        wait(buf0, sem0)
        acc = accum(buf0, acc)
        wait(buf1, sem1)
        acc = accum(buf1, acc)

        for c in range(n_vec):
            accv[pl.ds(c * LANES, LANES)] = acc[c]
        pltpu.sync_copy(accv, part_hbm.at[pl.ds(wid * dim, dim)])

    return sc_fn


@functools.cache
def _build_mlp(b, dim, n_classes, last_count, blk):
    nblk = b // blk
    inv = 1.0 / float(last_count)

    def body(x_ref, part_ref, wh_ref, bh_ref, wo_ref, bo_ref, hid_ref, log_ref):
        x = x_ref[...]
        psum = jnp.sum(part_ref[...], axis=0, keepdims=True)
        is_last = pl.program_id(0) == nblk - 1
        rowmask = (
            lax.broadcasted_iota(jnp.int32, (blk, 1), 0) == blk - 1
        ) & is_last
        x = jnp.where(rowmask, (x + psum) * inv, x)
        h = jnp.maximum(
            jnp.dot(x, wh_ref[...], preferred_element_type=jnp.float32)
            + bh_ref[...],
            0.0,
        )
        hid_ref[...] = h
        log_ref[...] = (
            jnp.dot(h, wo_ref[...], preferred_element_type=jnp.float32)
            + bo_ref[...]
        )

    return pl.pallas_call(
        body,
        grid=(nblk,),
        in_specs=[
            pl.BlockSpec((blk, dim), lambda i: (i, 0)),
            pl.BlockSpec((NW, dim), lambda i: (0, 0)),
            pl.BlockSpec((dim, dim), lambda i: (0, 0)),
            pl.BlockSpec((1, dim), lambda i: (0, 0)),
            pl.BlockSpec((dim, n_classes), lambda i: (0, 0)),
            pl.BlockSpec((1, n_classes), lambda i: (0, 0)),
        ],
        out_specs=[
            pl.BlockSpec((blk, dim), lambda i: (i, 0)),
            pl.BlockSpec((blk, n_classes), lambda i: (i, 0)),
        ],
        out_shape=[
            jax.ShapeDtypeStruct((b, dim), jnp.float32),
            jax.ShapeDtypeStruct((b, n_classes), jnp.float32),
        ],
    )


def kernel(text, offsets, embeddings, W_h, b_h, W_out, b_out):
    n_tok = text.shape[0]
    b = offsets.shape[0]
    vocab, dim = embeddings.shape
    n_classes = W_out.shape[0]

    mean_raw, partials = _build_sc(n_tok, vocab, dim, b)(
        text.astype(jnp.int32), embeddings
    )
    hidden, logits = _build_mlp(b, dim, n_classes, n_tok - b + 1, 2048)(
        mean_raw,
        partials.reshape(NW, dim),
        W_h.T,
        b_h.reshape(1, dim),
        W_out.T,
        b_out.reshape(1, n_classes),
    )
    return (hidden, logits)

# --- scband reference (transcript-rebuilt; emitter-appended) ---
"""Pipeline reference for scband-bowclassifier-52140902974042 (READ-ONLY COPY).

The authoritative reference and input builder live on the scoring server;
editing this copy changes nothing except your own understanding.
"""

import jax, jax.numpy as jnp
import numpy as np

VOCAB = 1000000
DIM = 64
B = 16384
N_TOK = 819200
N_CLASSES = 100


def setup_inputs(seed: int = 0) -> dict:
    key = jax.random.key(seed)
    k1, k2, k3, k4, k5, k6 = jax.random.split(key, 6)
    text = jax.random.randint(k1, (N_TOK,), 0, VOCAB)
    offsets = jnp.arange(B)
    embeddings = jax.random.normal(k2, (VOCAB, DIM), dtype=jnp.float32)
    # hidden layer (n_layers=2 -> one hidden Linear) and output layer, torch Linear convention W:[out,in]
    W_h = jax.random.normal(k3, (DIM, DIM), dtype=jnp.float32) * (1.0 / np.sqrt(DIM))
    b_h = jax.random.normal(k4, (DIM,), dtype=jnp.float32) * (1.0 / np.sqrt(DIM))
    W_out = jax.random.normal(k5, (N_CLASSES, DIM), dtype=jnp.float32) * (1.0 / np.sqrt(DIM))
    b_out = jax.random.normal(k6, (N_CLASSES,), dtype=jnp.float32) * (1.0 / np.sqrt(DIM))
    return {"text": text, "offsets": offsets, "embeddings": embeddings,
            "W_h": W_h, "b_h": b_h, "W_out": W_out, "b_out": b_out}


def reference(text, offsets, embeddings, W_h, b_h, W_out, b_out):
    n_tok = text.shape[0]
    n_bags = offsets.shape[0]
    # EmbeddingBag(mode='mean'): token i belongs to bag (#offsets <= i) - 1
    seg_ids = jnp.searchsorted(offsets, jnp.arange(n_tok), side='right') - 1
    emb = jnp.take(embeddings, text, axis=0)
    sums = jax.ops.segment_sum(emb, seg_ids, num_segments=n_bags)
    counts = jax.ops.segment_sum(jnp.ones((n_tok,), dtype=emb.dtype), seg_ids, num_segments=n_bags)
    mean = sums / jnp.maximum(counts, 1.0)[:, None]
    hidden = jax.nn.relu(mean @ W_h.T + b_h)
    logits = hidden @ W_out.T + b_out
    return (hidden, logits)

if __name__ == "__main__":
    import jax
    _d = setup_inputs()
    print(jax.jit(kernel)(*tuple(_d.values())))

</pallas_src>

<mosaic_0001>
#map = affine_map<(d0, d1) -> (0)>
#map1 = affine_map<(d0, d1) -> (0, 0)>
module attributes {stable_mosaic.version = 14 : i64} {
  func.func @sc_fn(%arg0: i32, %arg1: i32, %arg2: memref<819200xi32, #tpu.memory_space<hbm>>, %arg3: memref<1000000x64xf32, #tpu.memory_space<hbm>>, %arg4: memref<16384x64xf32, #tpu.memory_space<hbm>>, %arg5: memref<2048xf32, #tpu.memory_space<hbm>>, %arg6: memref<512xi32, #tpu.memory_space<vmem>>, %arg7: memref<25088xi32, #tpu.memory_space<vmem>>, %arg8: memref<512x64xf32, #tpu.memory_space<vmem>>, %arg9: memref<128x64xf32, #tpu.memory_space<vmem>>, %arg10: memref<128x64xf32, #tpu.memory_space<vmem>>, %arg11: memref<64xf32, #tpu.memory_space<vmem>>, %arg12: memref<!tpu.dma_semaphore, #tpu.memory_space<semaphore_mem>>, %arg13: memref<!tpu.dma_semaphore, #tpu.memory_space<semaphore_mem>>, %arg14: memref<!tpu.dma_semaphore, #tpu.memory_space<semaphore_mem>>) attributes {dimension_semantics = [#tpu.dimension_semantics<core_parallel>, #tpu.dimension_semantics<subcore_parallel>], iteration_bounds = array<i64: 2, 16>, scalar_prefetch = 0 : i64, scratch_operands = 9 : i64, tpu.core_type = #tpu.core_type<sc_vector_subcore>, window_params = [{transform_indices = #map}, {transform_indices = #map1}, {transform_indices = #map1}, {transform_indices = #map}]} {
    %mul3A = arith.constant 2 : i32
    %mul3A_0 = arith.muli %arg1, %mul3A : i32
    %add3A = arith.addi %mul3A_0, %arg0 : i32
    %mul3A_1 = arith.constant 512 : i32
    %mul3A_2 = arith.muli %add3A, %mul3A_1 : i32
    "tpu.region"() ({
      %run_scoped3A = tpu.sem_alloc : memref<!tpu.dma_semaphore, #tpu.memory_space<semaphore_mem>>
      %dma_start3A_135 = tpu.memref_slice %arg2[%mul3A_2] : memref<819200xi32, #tpu.memory_space<hbm>> -> memref<512xi32, #tpu.memory_space<hbm>>
      %dma_start3A_136 = tpu.memref_slice %arg2[%mul3A_2] : memref<819200xi32, #tpu.memory_space<hbm>> -> memref<512xi32, #tpu.memory_space<hbm>>
      tpu.enqueue_dma source(%dma_start3A_136 : memref<512xi32, #tpu.memory_space<hbm>>) target(%arg6 : memref<512xi32, #tpu.memory_space<vmem>>) target_semaphore(%run_scoped3A : memref<!tpu.dma_semaphore, #tpu.memory_space<semaphore_mem>>)
      %dma_wait3A_137 = tpu.memref_slice %arg2[%mul3A_2] : memref<819200xi32, #tpu.memory_space<hbm>> -> memref<512xi32, #tpu.memory_space<hbm>>
      %dma_wait3A_138 = tpu.memref_slice %arg2[%mul3A_2] : memref<819200xi32, #tpu.memory_space<hbm>> -> memref<512xi32, #tpu.memory_space<hbm>>
      tpu.wait_dma2 semaphore(%run_scoped3A : memref<!tpu.dma_semaphore, #tpu.memory_space<semaphore_mem>>) src(%dma_wait3A_138 : memref<512xi32, #tpu.memory_space<hbm>>) dst(%arg6 : memref<512xi32, #tpu.memory_space<vmem>>)
      tpu.yield
    }) : () -> ()
    %mul3A_3 = arith.constant 25088 : i32
    %mul3A_4 = arith.muli %add3A, %mul3A_3 : i32
    %add3A_5 = arith.constant 16384 : i32
    %add3A_6 = arith.addi %add3A_5, %mul3A_4 : i32
    %multiple_of3A = tpu.assume_multiple %add3A_6, 8 : i32
    "tpu.region"() ({
      %run_scoped3A = tpu.sem_alloc : memref<!tpu.dma_semaphore, #tpu.memory_space<semaphore_mem>>
      %dma_start3A_135 = tpu.memref_slice %arg2[%multiple_of3A] : memref<819200xi32, #tpu.memory_space<hbm>> -> memref<25088xi32, #tpu.memory_space<hbm>>
      %dma_start3A_136 = tpu.memref_slice %arg2[%multiple_of3A] : memref<819200xi32, #tpu.memory_space<hbm>> -> memref<25088xi32, #tpu.memory_space<hbm>>
      tpu.enqueue_dma source(%dma_start3A_136 : memref<25088xi32, #tpu.memory_space<hbm>>) target(%arg7 : memref<25088xi32, #tpu.memory_space<vmem>>) target_semaphore(%run_scoped3A : memref<!tpu.dma_semaphore, #tpu.memory_space<semaphore_mem>>)
      %dma_wait3A_137 = tpu.memref_slice %arg2[%multiple_of3A] : memref<819200xi32, #tpu.memory_space<hbm>> -> memref<25088xi32, #tpu.memory_space<hbm>>
      %dma_wait3A_138 = tpu.memref_slice %arg2[%multiple_of3A] : memref<819200xi32, #tpu.memory_space<hbm>> -> memref<25088xi32, #tpu.memory_space<hbm>>
      tpu.wait_dma2 semaphore(%run_scoped3A : memref<!tpu.dma_semaphore, #tpu.memory_space<semaphore_mem>>) src(%dma_wait3A_138 : memref<25088xi32, #tpu.memory_space<hbm>>) dst(%arg7 : memref<25088xi32, #tpu.memory_space<vmem>>)
      tpu.yield
    }) : () -> ()
    %dma_start3A = arith.constant 0 : i32
    %dma_start3A_7 = arith.constant 0 : i32
    %dma_start3A_8 = tpu.memref_slice %arg8[%dma_start3A, %dma_start3A_7] : memref<512x64xf32, #tpu.memory_space<vmem>> -> memref<128x64xf32, #tpu.memory_space<vmem>>
    %dma_start3A_9 = arith.constant 0 : i32
    %dma_start3A_10 = tpu.memref_slice %arg6[%dma_start3A_9] : memref<512xi32, #tpu.memory_space<vmem>> -> memref<128xi32, #tpu.memory_space<vmem>>
    %dma_start3A_11 = arith.constant 0 : i32
    %dma_start3A_12 = arith.constant 0 : i32
    %dma_start3A_13 = tpu.memref_slice %arg3[%dma_start3A_11, %dma_start3A_12] : memref<1000000x64xf32, #tpu.memory_space<hbm>> -> memref<1000000x64xf32, #tpu.memory_space<hbm>>
    tpu.enqueue_indirect_dma source(%dma_start3A_13 : memref<1000000x64xf32, #tpu.memory_space<hbm>>) target(%dma_start3A_8 : memref<128x64xf32, #tpu.memory_space<vmem>>) offsets(%dma_start3A_10 : memref<128xi32, #tpu.memory_space<vmem>>) semaphore(%arg12 : memref<!tpu.dma_semaphore, #tpu.memory_space<semaphore_mem>>)
    %dma_start3A_14 = arith.constant 128 : i32
    %dma_start3A_15 = arith.constant 0 : i32
    %dma_start3A_16 = tpu.memref_slice %arg8[%dma_start3A_14, %dma_start3A_15] : memref<512x64xf32, #tpu.memory_space<vmem>> -> memref<128x64xf32, #tpu.memory_space<vmem>>
    %dma_start3A_17 = arith.constant 128 : i32
    %dma_start3A_18 = tpu.memref_slice %arg6[%dma_start3A_17] : memref<512xi32, #tpu.memory_space<vmem>> -> memref<128xi32, #tpu.memory_space<vmem>>
    %dma_start3A_19 = arith.constant 0 : i32
    %dma_start3A_20 = arith.constant 0 : i32
    %dma_start3A_21 = tpu.memref_slice %arg3[%dma_start3A_19, %dma_start3A_20] : memref<1000000x64xf32, #tpu.memory_space<hbm>> -> memref<1000000x64xf32, #tpu.memory_space<hbm>>
    tpu.enqueue_indirect_dma source(%dma_start3A_21 : memref<1000000x64xf32, #tpu.memory_space<hbm>>) target(%dma_start3A_16 : memref<128x64xf32, #tpu.memory_space<vmem>>) offsets(%dma_start3A_18 : memref<128xi32, #tpu.memory_space<vmem>>) semaphore(%arg12 : memref<!tpu.dma_semaphore, #tpu.memory_space<semaphore_mem>>)
    %dma_start3A_22 = arith.constant 256 : i32
    %dma_start3A_23 = arith.constant 0 : i32
    %dma_start3A_24 = tpu.memref_slice %arg8[%dma_start3A_22, %dma_start3A_23] : memref<512x64xf32, #tpu.memory_space<vmem>> -> memref<128x64xf32, #tpu.memory_space<vmem>>
    %dma_start3A_25 = arith.constant 256 : i32
    %dma_start3A_26 = tpu.memref_slice %arg6[%dma_start3A_25] : memref<512xi32, #tpu.memory_space<vmem>> -> memref<128xi32, #tpu.memory_space<vmem>>
    %dma_start3A_27 = arith.constant 0 : i32
    %dma_start3A_28 = arith.constant 0 : i32
    %dma_start3A_29 = tpu.memref_slice %arg3[%dma_start3A_27, %dma_start3A_28] : memref<1000000x64xf32, #tpu.memory_space<hbm>> -> memref<1000000x64xf32, #tpu.memory_space<hbm>>
    tpu.enqueue_indirect_dma source(%dma_start3A_29 : memref<1000000x64xf32, #tpu.memory_space<hbm>>) target(%dma_start3A_24 : memref<128x64xf32, #tpu.memory_space<vmem>>) offsets(%dma_start3A_26 : memref<128xi32, #tpu.memory_space<vmem>>) semaphore(%arg12 : memref<!tpu.dma_semaphore, #tpu.memory_space<semaphore_mem>>)
    %dma_start3A_30 = arith.constant 384 : i32
    %dma_start3A_31 = arith.constant 0 : i32
    %dma_start3A_32 = tpu.memref_slice %arg8[%dma_start3A_30, %dma_start3A_31] : memref<512x64xf32, #tpu.memory_space<vmem>> -> memref<128x64xf32, #tpu.memory_space<vmem>>
    %dma_start3A_33 = arith.constant 384 : i32
    %dma_start3A_34 = tpu.memref_slice %arg6[%dma_start3A_33] : memref<512xi32, #tpu.memory_space<vmem>> -> memref<128xi32, #tpu.memory_space<vmem>>
    %dma_start3A_35 = arith.constant 0 : i32
    %dma_start3A_36 = arith.constant 0 : i32
    %dma_start3A_37 = tpu.memref_slice %arg3[%dma_start3A_35, %dma_start3A_36] : memref<1000000x64xf32, #tpu.memory_space<hbm>> -> memref<1000000x64xf32, #tpu.memory_space<hbm>>
    tpu.enqueue_indirect_dma source(%dma_start3A_37 : memref<1000000x64xf32, #tpu.memory_space<hbm>>) target(%dma_start3A_32 : memref<128x64xf32, #tpu.memory_space<vmem>>) offsets(%dma_start3A_34 : memref<128xi32, #tpu.memory_space<vmem>>) semaphore(%arg12 : memref<!tpu.dma_semaphore, #tpu.memory_space<semaphore_mem>>)
    %multiple_of3A_38 = arith.constant 0 : i32
    %multiple_of3A_39 = tpu.assume_multiple %multiple_of3A_38, 128 : i32
    %dma_start3A_40 = tpu.memref_slice %arg7[%multiple_of3A_39] : memref<25088xi32, #tpu.memory_space<vmem>> -> memref<128xi32, #tpu.memory_space<vmem>>
    %dma_start3A_41 = arith.constant 0 : i32
    %dma_start3A_42 = arith.constant 0 : i32
    %dma_start3A_43 = tpu.memref_slice %arg3[%dma_start3A_41, %dma_start3A_42] : memref<1000000x64xf32, #tpu.memory_space<hbm>> -> memref<1000000x64xf32, #tpu.memory_space<hbm>>
    tpu.enqueue_indirect_dma source(%dma_start3A_43 : memref<1000000x64xf32, #tpu.memory_space<hbm>>) target(%arg9 : memref<128x64xf32, #tpu.memory_space<vmem>>) offsets(%dma_start3A_40 : memref<128xi32, #tpu.memory_space<vmem>>) semaphore(%arg13 : memref<!tpu.dma_semaphore, #tpu.memory_space<semaphore_mem>>)
    %multiple_of3A_44 = arith.constant 128 : i32
    %multiple_of3A_45 = tpu.assume_multiple %multiple_of3A_44, 128 : i32
    %dma_start3A_46 = tpu.memref_slice %arg7[%multiple_of3A_45] : memref<25088xi32, #tpu.memory_space<vmem>> -> memref<128xi32, #tpu.memory_space<vmem>>
    %dma_start3A_47 = arith.constant 0 : i32
    %dma_start3A_48 = arith.constant 0 : i32
    %dma_start3A_49 = tpu.memref_slice %arg3[%dma_start3A_47, %dma_start3A_48] : memref<1000000x64xf32, #tpu.memory_space<hbm>> -> memref<1000000x64xf32, #tpu.memory_space<hbm>>
    tpu.enqueue_indirect_dma source(%dma_start3A_49 : memref<1000000x64xf32, #tpu.memory_space<hbm>>) target(%arg10 : memref<128x64xf32, #tpu.memory_space<vmem>>) offsets(%dma_start3A_46 : memref<128xi32, #tpu.memory_space<vmem>>) semaphore(%arg14 : memref<!tpu.dma_semaphore, #tpu.memory_space<semaphore_mem>>)
    %dma_wait3A = arith.constant 0 : i32
    %dma_wait3A_50 = arith.constant 0 : i32
    %dma_wait3A_51 = tpu.memref_slice %arg8[%dma_wait3A, %dma_wait3A_50] : memref<512x64xf32, #tpu.memory_space<vmem>> -> memref<128x64xf32, #tpu.memory_space<vmem>>
    %dma_wait3A_52 = arith.constant 0 : i32
    %dma_wait3A_53 = tpu.memref_slice %arg6[%dma_wait3A_52] : memref<512xi32, #tpu.memory_space<vmem>> -> memref<128xi32, #tpu.memory_space<vmem>>
    %dma_wait3A_54 = arith.constant 0 : i32
    %dma_wait3A_55 = arith.constant 0 : i32
    %dma_wait3A_56 = tpu.memref_slice %arg3[%dma_wait3A_54, %dma_wait3A_55] : memref<1000000x64xf32, #tpu.memory_space<hbm>> -> memref<1000000x64xf32, #tpu.memory_space<hbm>>
    tpu.wait_indirect_dma semaphore(%arg12 : memref<!tpu.dma_semaphore, #tpu.memory_space<semaphore_mem>>) src(%dma_wait3A_56 : memref<1000000x64xf32, #tpu.memory_space<hbm>>) dst(%dma_wait3A_51 : memref<128x64xf32, #tpu.memory_space<vmem>>)
    %dma_wait3A_57 = arith.constant 128 : i32
    %dma_wait3A_58 = arith.constant 0 : i32
    %dma_wait3A_59 = tpu.memref_slice %arg8[%dma_wait3A_57, %dma_wait3A_58] : memref<512x64xf32, #tpu.memory_space<vmem>> -> memref<128x64xf32, #tpu.memory_space<vmem>>
    %dma_wait3A_60 = arith.constant 128 : i32
    %dma_wait3A_61 = tpu.memref_slice %arg6[%dma_wait3A_60] : memref<512xi32, #tpu.memory_space<vmem>> -> memref<128xi32, #tpu.memory_space<vmem>>
    %dma_wait3A_62 = arith.constant 0 : i32
    %dma_wait3A_63 = arith.constant 0 : i32
    %dma_wait3A_64 = tpu.memref_slice %arg3[%dma_wait3A_62, %dma_wait3A_63] : memref<1000000x64xf32, #tpu.memory_space<hbm>> -> memref<1000000x64xf32, #tpu.memory_space<hbm>>
    tpu.wait_indirect_dma semaphore(%arg12 : memref<!tpu.dma_semaphore, #tpu.memory_space<semaphore_mem>>) src(%dma_wait3A_64 : memref<1000000x64xf32, #tpu.memory_space<hbm>>) dst(%dma_wait3A_59 : memref<128x64xf32, #tpu.memory_space<vmem>>)
    %dma_wait3A_65 = arith.constant 256 : i32
    %dma_wait3A_66 = arith.constant 0 : i32
    %dma_wait3A_67 = tpu.memref_slice %arg8[%dma_wait3A_65, %dma_wait3A_66] : memref<512x64xf32, #tpu.memory_space<vmem>> -> memref<128x64xf32, #tpu.memory_space<vmem>>
    %dma_wait3A_68 = arith.constant 256 : i32
    %dma_wait3A_69 = tpu.memref_slice %arg6[%dma_wait3A_68] : memref<512xi32, #tpu.memory_space<vmem>> -> memref<128xi32, #tpu.memory_space<vmem>>
    %dma_wait3A_70 = arith.constant 0 : i32
    %dma_wait3A_71 = arith.constant 0 : i32
    %dma_wait3A_72 = tpu.memref_slice %arg3[%dma_wait3A_70, %dma_wait3A_71] : memref<1000000x64xf32, #tpu.memory_space<hbm>> -> memref<1000000x64xf32, #tpu.memory_space<hbm>>
    tpu.wait_indirect_dma semaphore(%arg12 : memref<!tpu.dma_semaphore, #tpu.memory_space<semaphore_mem>>) src(%dma_wait3A_72 : memref<1000000x64xf32, #tpu.memory_space<hbm>>) dst(%dma_wait3A_67 : memref<128x64xf32, #tpu.memory_space<vmem>>)
    %dma_wait3A_73 = arith.constant 384 : i32
    %dma_wait3A_74 = arith.constant 0 : i32
    %dma_wait3A_75 = tpu.memref_slice %arg8[%dma_wait3A_73, %dma_wait3A_74] : memref<512x64xf32, #tpu.memory_space<vmem>> -> memref<128x64xf32, #tpu.memory_space<vmem>>
    %dma_wait3A_76 = arith.constant 384 : i32
    %dma_wait3A_77 = tpu.memref_slice %arg6[%dma_wait3A_76] : memref<512xi32, #tpu.memory_space<vmem>> -> memref<128xi32, #tpu.memory_space<vmem>>
    %dma_wait3A_78 = arith.constant 0 : i32
    %dma_wait3A_79 = arith.constant 0 : i32
    %dma_wait3A_80 = tpu.memref_slice %arg3[%dma_wait3A_78, %dma_wait3A_79] : memref<1000000x64xf32, #tpu.memory_space<hbm>> -> memref<1000000x64xf32, #tpu.memory_space<hbm>>
    tpu.wait_indirect_dma semaphore(%arg12 : memref<!tpu.dma_semaphore, #tpu.memory_space<semaphore_mem>>) src(%dma_wait3A_80 : memref<1000000x64xf32, #tpu.memory_space<hbm>>) dst(%dma_wait3A_75 : memref<128x64xf32, #tpu.memory_space<vmem>>)
    %mul3A_81 = arith.constant 512 : i32
    %mul3A_82 = arith.muli %add3A, %mul3A_81 : i32
    %multiple_of3A_83 = tpu.assume_multiple %mul3A_82, 8 : i32
    "tpu.region"() ({
      %run_scoped3A = tpu.sem_alloc : memref<!tpu.dma_semaphore, #tpu.memory_space<semaphore_mem>>
      %dma_start3A_135 = arith.constant 0 : i32
      %dma_start3A_136 = tpu.memref_slice %arg4[%multiple_of3A_83, %dma_start3A_135] : memref<16384x64xf32, #tpu.memory_space<hbm>> -> memref<512x64xf32, #tpu.memory_space<hbm>>
      %dma_start3A_137 = arith.constant 0 : i32
      %dma_start3A_138 = tpu.memref_slice %arg4[%multiple_of3A_83, %dma_start3A_137] : memref<16384x64xf32, #tpu.memory_space<hbm>> -> memref<512x64xf32, #tpu.memory_space<hbm>>
      tpu.enqueue_dma source(%arg8 : memref<512x64xf32, #tpu.memory_space<vmem>>) target(%dma_start3A_138 : memref<512x64xf32, #tpu.memory_space<hbm>>) target_semaphore(%run_scoped3A : memref<!tpu.dma_semaphore, #tpu.memory_space<semaphore_mem>>)
      %dma_wait3A_139 = arith.constant 0 : i32
      %dma_wait3A_140 = tpu.memref_slice %arg4[%multiple_of3A_83, %dma_wait3A_139] : memref<16384x64xf32, #tpu.memory_space<hbm>> -> memref<512x64xf32, #tpu.memory_space<hbm>>
      %dma_wait3A_141 = arith.constant 0 : i32
      %dma_wait3A_142 = tpu.memref_slice %arg4[%multiple_of3A_83, %dma_wait3A_141] : memref<16384x64xf32, #tpu.memory_space<hbm>> -> memref<512x64xf32, #tpu.memory_space<hbm>>
      tpu.wait_dma2 semaphore(%run_scoped3A : memref<!tpu.dma_semaphore, #tpu.memory_space<semaphore_mem>>) src(%arg8 : memref<512x64xf32, #tpu.memory_space<vmem>>) dst(%dma_wait3A_142 : memref<512x64xf32, #tpu.memory_space<hbm>>)
      tpu.yield
    }) : () -> ()
    %broadcast_in_dim3A = arith.constant 0.000000e+00 : f32
    %broadcast_in_dim3A_84 = vector.broadcast %broadcast_in_dim3A : f32 to vector<16xf32>
    %broadcast_in_dim3A_85 = arith.constant 0.000000e+00 : f32
    %broadcast_in_dim3A_86 = vector.broadcast %broadcast_in_dim3A_85 : f32 to vector<16xf32>
    %broadcast_in_dim3A_87 = arith.constant 0.000000e+00 : f32
    %broadcast_in_dim3A_88 = vector.broadcast %broadcast_in_dim3A_87 : f32 to vector<16xf32>
    %broadcast_in_dim3A_89 = arith.constant 0.000000e+00 : f32
    %broadcast_in_dim3A_90 = vector.broadcast %broadcast_in_dim3A_89 : f32 to vector<16xf32>
    %scan3A = arith.constant 0 : i32
    %scan3A_91 = arith.constant 97 : i32
    %scan3A_92 = arith.addi %scan3A, %scan3A_91 : i32
    %scan3A_93 = arith.constant 1 : i32
    %scan3A_94:4 = scf.for %scan3A_135 = %scan3A to %scan3A_92 step %scan3A_93 iter_args(%scan3A_136 = %broadcast_in_dim3A_84, %scan3A_137 = %broadcast_in_dim3A_86, %scan3A_138 = %broadcast_in_dim3A_88, %scan3A_139 = %broadcast_in_dim3A_90) -> (vector<16xf32>, vector<16xf32>, vector<16xf32>, vector<16xf32>)  : i32 {
      %dma_wait3A_140 = arith.constant 0 : i32
      %dma_wait3A_141 = tpu.memref_slice %arg7[%dma_wait3A_140] : memref<25088xi32, #tpu.memory_space<vmem>> -> memref<128xi32, #tpu.memory_space<vmem>>
      %dma_wait3A_142 = arith.constant 0 : i32
      %dma_wait3A_143 = arith.constant 0 : i32
      %dma_wait3A_144 = tpu.memref_slice %arg3[%dma_wait3A_142, %dma_wait3A_143] : memref<1000000x64xf32, #tpu.memory_space<hbm>> -> memref<1000000x64xf32, #tpu.memory_space<hbm>>
      tpu.wait_indirect_dma semaphore(%arg13 : memref<!tpu.dma_semaphore, #tpu.memory_space<semaphore_mem>>) src(%dma_wait3A_144 : memref<1000000x64xf32, #tpu.memory_space<hbm>>) dst(%arg9 : memref<128x64xf32, #tpu.memory_space<vmem>>)
      %scan3A_145 = arith.constant 0 : i32
      %scan3A_146 = arith.constant 128 : i32
      %scan3A_147 = arith.addi %scan3A_145, %scan3A_146 : i32
      %scan3A_148 = arith.constant 8 : i32
      %scan3A_149:4 = scf.for %scan3A_184 = %scan3A_145 to %scan3A_147 step %scan3A_148 iter_args(%scan3A_185 = %scan3A_136, %scan3A_186 = %scan3A_137, %scan3A_187 = %scan3A_138, %scan3A_188 = %scan3A_139) -> (vector<16xf32>, vector<16xf32>, vector<16xf32>, vector<16xf32>)  : i32 {
        %get3A = arith.index_cast %scan3A_184 : i32 to index
        %get3A_189 = arith.constant 0 : index
        %get3A_190 = tpu.vector_load %arg9[%get3A, %get3A_189] {strides = array<i32>} : memref<128x64xf32, #tpu.memory_space<vmem>>, vector<1x16xf32>,
        %get3A_191 = vector.shape_cast %get3A_190 : vector<1x16xf32> to vector<16xf32>
        %add3A_192 = arith.addf %scan3A_185, %get3A_191 : vector<16xf32>
        %get3A_193 = arith.index_cast %scan3A_184 : i32 to index
        %get3A_194 = arith.constant 16 : index
        %get3A_195 = tpu.vector_load %arg9[%get3A_193, %get3A_194] {strides = array<i32>} : memref<128x64xf32, #tpu.memory_space<vmem>>, vector<1x16xf32>,
        %get3A_196 = vector.shape_cast %get3A_195 : vector<1x16xf32> to vector<16xf32>
        %add3A_197 = arith.addf %scan3A_186, %get3A_196 : vector<16xf32>
        %get3A_198 = arith.index_cast %scan3A_184 : i32 to index
        %get3A_199 = arith.constant 32 : index
        %get3A_200 = tpu.vector_load %arg9[%get3A_198, %get3A_199] {strides = array<i32>} : memref<128x64xf32, #tpu.memory_space<vmem>>, vector<1x16xf32>,
        %get3A_201 = vector.shape_cast %get3A_200 : vector<1x16xf32> to vector<16xf32>
        %add3A_202 = arith.addf %scan3A_187, %get3A_201 : vector<16xf32>
        %get3A_203 = arith.index_cast %scan3A_184 : i32 to index
        %get3A_204 = arith.constant 48 : index
        %get3A_205 = tpu.vector_load %arg9[%get3A_203, %get3A_204] {strides = array<i32>} : memref<128x64xf32, #tpu.memory_space<vmem>>, vector<1x16xf32>,
        %get3A_206 = vector.shape_cast %get3A_205 : vector<1x16xf32> to vector<16xf32>
        %add3A_207 = arith.addf %scan3A_188, %get3A_206 : vector<16xf32>
        %scan3A_208 = arith.constant 1 : i32
        %scan3A_209 = arith.addi %scan3A_184, %scan3A_208 : i32
        %get3A_210 = arith.index_cast %scan3A_209 : i32 to index
        %get3A_211 = arith.constant 0 : index
        %get3A_212 = tpu.vector_load %arg9[%get3A_210, %get3A_211] {strides = array<i32>} : memref<128x64xf32, #tpu.memory_space<vmem>>, vector<1x16xf32>,
        %get3A_213 = vector.shape_cast %get3A_212 : vector<1x16xf32> to vector<16xf32>
        %add3A_214 = arith.addf %add3A_192, %get3A_213 : vector<16xf32>
        %get3A_215 = arith.index_cast %scan3A_209 : i32 to index
        %get3A_216 = arith.constant 16 : index
        %get3A_217 = tpu.vector_load %arg9[%get3A_215, %get3A_216] {strides = array<i32>} : memref<128x64xf32, #tpu.memory_space<vmem>>, vector<1x16xf32>,
        %get3A_218 = vector.shape_cast %get3A_217 : vector<1x16xf32> to vector<16xf32>
        %add3A_219 = arith.addf %add3A_197, %get3A_218 : vector<16xf32>
        %get3A_220 = arith.index_cast %scan3A_209 : i32 to index
        %get3A_221 = arith.constant 32 : index
        %get3A_222 = tpu.vector_load %arg9[%get3A_220, %get3A_221] {strides = array<i32>} : memref<128x64xf32, #tpu.memory_space<vmem>>, vector<1x16xf32>,
        %get3A_223 = vector.shape_cast %get3A_222 : vector<1x16xf32> to vector<16xf32>
        %add3A_224 = arith.addf %add3A_202, %get3A_223 : vector<16xf32>
        %get3A_225 = arith.index_cast %scan3A_209 : i32 to index
        %get3A_226 = arith.constant 48 : index
        %get3A_227 = tpu.vector_load %arg9[%get3A_225, %get3A_226] {strides = array<i32>} : memref<128x64xf32, #tpu.memory_space<vmem>>, vector<1x16xf32>,
        %get3A_228 = vector.shape_cast %get3A_227 : vector<1x16xf32> to vector<16xf32>
        %add3A_229 = arith.addf %add3A_207, %get3A_228 : vector<16xf32>
        %scan3A_230 = arith.constant 2 : i32
        %scan3A_231 = arith.addi %scan3A_184, %scan3A_230 : i32
        %get3A_232 = arith.index_cast %scan3A_231 : i32 to index
        %get3A_233 = arith.constant 0 : index
        %get3A_234 = tpu.vector_load %arg9[%get3A_232, %get3A_233] {strides = array<i32>} : memref<128x64xf32, #tpu.memory_space<vmem>>, vector<1x16xf32>,
        %get3A_235 = vector.shape_cast %get3A_234 : vector<1x16xf32> to vector<16xf32>
        %add3A_236 = arith.addf %add3A_214, %get3A_235 : vector<16xf32>
        %get3A_237 = arith.index_cast %scan3A_231 : i32 to index
        %get3A_238 = arith.constant 16 : index
        %get3A_239 = tpu.vector_load %arg9[%get3A_237, %get3A_238] {strides = array<i32>} : memref<128x64xf32, #tpu.memory_space<vmem>>, vector<1x16xf32>,
        %get3A_240 = vector.shape_cast %get3A_239 : vector<1x16xf32> to vector<16xf32>
        %add3A_241 = arith.addf %add3A_219, %get3A_240 : vector<16xf32>
        %get3A_242 = arith.index_cast %scan3A_231 : i32 to index
        %get3A_243 = arith.constant 32 : index
        %get3A_244 = tpu.vector_load %arg9[%get3A_242, %get3A_243] {strides = array<i32>} : memref<128x64xf32, #tpu.memory_space<vmem>>, vector<1x16xf32>,
        %get3A_245 = vector.shape_cast %get3A_244 : vector<1x16xf32> to vector<16xf32>
        %add3A_246 = arith.addf %add3A_224, %get3A_245 : vector<16xf32>
        %get3A_247 = arith.index_cast %scan3A_231 : i32 to index
        %get3A_248 = arith.constant 48 : index
        %get3A_249 = tpu.vector_load %arg9[%get3A_247, %get3A_248] {strides = array<i32>} : memref<128x64xf32, #tpu.memory_space<vmem>>, vector<1x16xf32>,
        %get3A_250 = vector.shape_cast %get3A_249 : vector<1x16xf32> to vector<16xf32>
        %add3A_251 = arith.addf %add3A_229, %get3A_250 : vector<16xf32>
        %scan3A_252 = arith.constant 3 : i32
        %scan3A_253 = arith.addi %scan3A_184, %scan3A_252 : i32
        %get3A_254 = arith.index_cast %scan3A_253 : i32 to index
        %get3A_255 = arith.constant 0 : index
        %get3A_256 = tpu.vector_load %arg9[%get3A_254, %get3A_255] {strides = array<i32>} : memref<128x64xf32, #tpu.memory_space<vmem>>, vector<1x16xf32>,
        %get3A_257 = vector.shape_cast %get3A_256 : vector<1x16xf32> to vector<16xf32>
        %add3A_258 = arith.addf %add3A_236, %get3A_257 : vector<16xf32>
        %get3A_259 = arith.index_cast %scan3A_253 : i32 to index
        %get3A_260 = arith.constant 16 : index
        %get3A_261 = tpu.vector_load %arg9[%get3A_259, %get3A_260] {strides = array<i32>} : memref<128x64xf32, #tpu.memory_space<vmem>>, vector<1x16xf32>,
        %get3A_262 = vector.shape_cast %get3A_261 : vector<1x16xf32> to vector<16xf32>
        %add3A_263 = arith.addf %add3A_241, %get3A_262 : vector<16xf32>
        %get3A_264 = arith.index_cast %scan3A_253 : i32 to index
        %get3A_265 = arith.constant 32 : index
        %get3A_266 = tpu.vector_load %arg9[%get3A_264, %get3A_265] {strides = array<i32>} : memref<128x64xf32, #tpu.memory_space<vmem>>, vector<1x16xf32>,
        %get3A_267 = vector.shape_cast %get3A_266 : vector<1x16xf32> to vector<16xf32>
        %add3A_268 = arith.addf %add3A_246, %get3A_267 : vector<16xf32>
        %get3A_269 = arith.index_cast %scan3A_253 : i32 to index
        %get3A_270 = arith.constant 48 : index
        %get3A_271 = tpu.vector_load %arg9[%get3A_269, %get3A_270] {strides = array<i32>} : memref<128x64xf32, #tpu.memory_space<vmem>>, vector<1x16xf32>,
        %get3A_272 = vector.shape_cast %get3A_271 : vector<1x16xf32> to vector<16xf32>
        %add3A_273 = arith.addf %add3A_251, %get3A_272 : vector<16xf32>
        %scan3A_274 = arith.constant 4 : i32
        %scan3A_275 = arith.addi %scan3A_184, %scan3A_274 : i32
        %get3A_276 = arith.index_cast %scan3A_275 : i32 to index
        %get3A_277 = arith.constant 0 : index
        %get3A_278 = tpu.vector_load %arg9[%get3A_276, %get3A_277] {strides = array<i32>} : memref<128x64xf32, #tpu.memory_space<vmem>>, vector<1x16xf32>,
        %get3A_279 = vector.shape_cast %get3A_278 : vector<1x16xf32> to vector<16xf32>
        %add3A_280 = arith.addf %add3A_258, %get3A_279 : vector<16xf32>
        %get3A_281 = arith.index_cast %scan3A_275 : i32 to index
        %get3A_282 = arith.constant 16 : index
        %get3A_283 = tpu.vector_load %arg9[%get3A_281, %get3A_282] {strides = array<i32>} : memref<128x64xf32, #tpu.memory_space<vmem>>, vector<1x16xf32>,
        %get3A_284 = vector.shape_cast %get3A_283 : vector<1x16xf32> to vector<16xf32>
        %add3A_285 = arith.addf %add3A_263, %get3A_284 : vector<16xf32>
        %get3A_286 = arith.index_cast %scan3A_275 : i32 to index
        %get3A_287 = arith.constant 32 : index
        %get3A_288 = tpu.vector_load %arg9[%get3A_286, %get3A_287] {strides = array<i32>} : memref<128x64xf32, #tpu.memory_space<vmem>>, vector<1x16xf32>,
        %get3A_289 = vector.shape_cast %get3A_288 : vector<1x16xf32> to vector<16xf32>
        %add3A_290 = arith.addf %add3A_268, %get3A_289 : vector<16xf32>
        %get3A_291 = arith.index_cast %scan3A_275 : i32 to index
        %get3A_292 = arith.constant 48 : index
        %get3A_293 = tpu.vector_load %arg9[%get3A_291, %get3A_292] {strides = array<i32>} : memref<128x64xf32, #tpu.memory_space<vmem>>, vector<1x16xf32>,
        %get3A_294 = vector.shape_cast %get3A_293 : vector<1x16xf32> to vector<16xf32>
        %add3A_295 = arith.addf %add3A_273, %get3A_294 : vector<16xf32>
        %scan3A_296 = arith.constant 5 : i32
        %scan3A_297 = arith.addi %scan3A_184, %scan3A_296 : i32
        %get3A_298 = arith.index_cast %scan3A_297 : i32 to index
        %get3A_299 = arith.constant 0 : index
        %get3A_300 = tpu.vector_load %arg9[%get3A_298, %get3A_299] {strides = array<i32>} : memref<128x64xf32, #tpu.memory_space<vmem>>, vector<1x16xf32>,
        %get3A_301 = vector.shape_cast %get3A_300 : vector<1x16xf32> to vector<16xf32>
        %add3A_302 = arith.addf %add3A_280, %get3A_301 : vector<16xf32>
        %get3A_303 = arith.index_cast %scan3A_297 : i32 to index
        %get3A_304 = arith.constant 16 : index
        %get3A_305 = tpu.vector_load %arg9[%get3A_303, %get3A_304] {strides = array<i32>} : memref<128x64xf32, #tpu.memory_space<vmem>>, vector<1x16xf32>,
        %get3A_306 = vector.shape_cast %get3A_305 : vector<1x16xf32> to vector<16xf32>
        %add3A_307 = arith.addf %add3A_285, %get3A_306 : vector<16xf32>
        %get3A_308 = arith.index_cast %scan3A_297 : i32 to index
        %get3A_309 = arith.constant 32 : index
        %get3A_310 = tpu.vector_load %arg9[%get3A_308, %get3A_309] {strides = array<i32>} : memref<128x64xf32, #tpu.memory_space<vmem>>, vector<1x16xf32>,
        %get3A_311 = vector.shape_cast %get3A_310 : vector<1x16xf32> to vector<16xf32>
        %add3A_312 = arith.addf %add3A_290, %get3A_311 : vector<16xf32>
        %get3A_313 = arith.index_cast %scan3A_297 : i32 to index
        %get3A_314 = arith.constant 48 : index
        %get3A_315 = tpu.vector_load %arg9[%get3A_313, %get3A_314] {strides = array<i32>} : memref<128x64xf32, #tpu.memory_space<vmem>>, vector<1x16xf32>,
        %get3A_316 = vector.shape_cast %get3A_315 : vector<1x16xf32> to vector<16xf32>
        %add3A_317 = arith.addf %add3A_295, %get3A_316 : vector<16xf32>
        %scan3A_318 = arith.constant 6 : i32
        %scan3A_319 = arith.addi %scan3A_184, %scan3A_318 : i32
        %get3A_320 = arith.index_cast %scan3A_319 : i32 to index
        %get3A_321 = arith.constant 0 : index
        %get3A_322 = tpu.vector_load %arg9[%get3A_320, %get3A_321] {strides = array<i32>} : memref<128x64xf32, #tpu.memory_space<vmem>>, vector<1x16xf32>,
        %get3A_323 = vector.shape_cast %get3A_322 : vector<1x16xf32> to vector<16xf32>
        %add3A_324 = arith.addf %add3A_302, %get3A_323 : vector<16xf32>
        %get3A_325 = arith.index_cast %scan3A_319 : i32 to index
        %get3A_326 = arith.constant 16 : index
        %get3A_327 = tpu.vector_load %arg9[%get3A_325, %get3A_326] {strides = array<i32>} : memref<128x64xf32, #tpu.memory_space<vmem>>, vector<1x16xf32>,
        %get3A_328 = vector.shape_cast %get3A_327 : vector<1x16xf32> to vector<16xf32>
        %add3A_329 = arith.addf %add3A_307, %get3A_328 : vector<16xf32>
        %get3A_330 = arith.index_cast %scan3A_319 : i32 to index
        %get3A_331 = arith.constant 32 : index
        %get3A_332 = tpu.vector_load %arg9[%get3A_330, %get3A_331] {strides = array<i32>} : memref<128x64xf32, #tpu.memory_space<vmem>>, vector<1x16xf32>,
        %get3A_333 = vector.shape_cast %get3A_332 : vector<1x16xf32> to vector<16xf32>
        %add3A_334 = arith.addf %add3A_312, %get3A_333 : vector<16xf32>
        %get3A_335 = arith.index_cast %scan3A_319 : i32 to index
        %get3A_336 = arith.constant 48 : index
        %get3A_337 = tpu.vector_load %arg9[%get3A_335, %get3A_336] {strides = array<i32>} : memref<128x64xf32, #tpu.memory_space<vmem>>, vector<1x16xf32>,
        %get3A_338 = vector.shape_cast %get3A_337 : vector<1x16xf32> to vector<16xf32>
        %add3A_339 = arith.addf %add3A_317, %get3A_338 : vector<16xf32>
        %scan3A_340 = arith.constant 7 : i32
        %scan3A_341 = arith.addi %scan3A_184, %scan3A_340 : i32
        %get3A_342 = arith.index_cast %scan3A_341 : i32 to index
        %get3A_343 = arith.constant 0 : index
        %get3A_344 = tpu.vector_load %arg9[%get3A_342, %get3A_343] {strides = array<i32>} : memref<128x64xf32, #tpu.memory_space<vmem>>, vector<1x16xf32>,
        %get3A_345 = vector.shape_cast %get3A_344 : vector<1x16xf32> to vector<16xf32>
        %add3A_346 = arith.addf %add3A_324, %get3A_345 : vector<16xf32>
        %get3A_347 = arith.index_cast %scan3A_341 : i32 to index
        %get3A_348 = arith.constant 16 : index
        %get3A_349 = tpu.vector_load %arg9[%get3A_347, %get3A_348] {strides = array<i32>} : memref<128x64xf32, #tpu.memory_space<vmem>>, vector<1x16xf32>,
        %get3A_350 = vector.shape_cast %get3A_349 : vector<1x16xf32> to vector<16xf32>
        %add3A_351 = arith.addf %add3A_329, %get3A_350 : vector<16xf32>
        %get3A_352 = arith.index_cast %scan3A_341 : i32 to index
        %get3A_353 = arith.constant 32 : index
        %get3A_354 = tpu.vector_load %arg9[%get3A_352, %get3A_353] {strides = array<i32>} : memref<128x64xf32, #tpu.memory_space<vmem>>, vector<1x16xf32>,
        %get3A_355 = vector.shape_cast %get3A_354 : vector<1x16xf32> to vector<16xf32>
        %add3A_356 = arith.addf %add3A_334, %get3A_355 : vector<16xf32>
        %get3A_357 = arith.index_cast %scan3A_341 : i32 to index
        %get3A_358 = arith.constant 48 : index
        %get3A_359 = tpu.vector_load %arg9[%get3A_357, %get3A_358] {strides = array<i32>} : memref<128x64xf32, #tpu.memory_space<vmem>>, vector<1x16xf32>,
        %get3A_360 = vector.shape_cast %get3A_359 : vector<1x16xf32> to vector<16xf32>
        %add3A_361 = arith.addf %add3A_339, %get3A_360 : vector<16xf32>
        scf.yield %add3A_346, %add3A_351, %add3A_356, %add3A_361 : vector<16xf32>, vector<16xf32>, vector<16xf32>, vector<16xf32>
      }
      %scan3A_150 = arith.constant 128 : i32
      %mul3A_151 = arith.constant 2 : i32
      %mul3A_152 = arith.muli %mul3A_151, %scan3A_135 : i32
      %add3A_153 = arith.constant 2 : i32
      %add3A_154 = arith.addi %mul3A_152, %add3A_153 : i32
      %mul3A_155 = arith.constant 128 : i32
      %mul3A_156 = arith.muli %add3A_154, %mul3A_155 : i32
      %multiple_of3A_157 = tpu.assume_multiple %mul3A_156, 128 : i32
      %dma_start3A_158 = tpu.memref_slice %arg7[%multiple_of3A_157] : memref<25088xi32, #tpu.memory_space<vmem>> -> memref<128xi32, #tpu.memory_space<vmem>>
      %dma_start3A_159 = arith.constant 0 : i32
      %dma_start3A_160 = arith.constant 0 : i32
      %dma_start3A_161 = tpu.memref_slice %arg3[%dma_start3A_159, %dma_start3A_160] : memref<1000000x64xf32, #tpu.memory_space<hbm>> -> memref<1000000x64xf32, #tpu.memory_space<hbm>>
      tpu.enqueue_indirect_dma source(%dma_start3A_161 : memref<1000000x64xf32, #tpu.memory_space<hbm>>) target(%arg9 : memref<128x64xf32, #tpu.memory_space<vmem>>) offsets(%dma_start3A_158 : memref<128xi32, #tpu.memory_space<vmem>>) semaphore(%arg13 : memref<!tpu.dma_semaphore, #tpu.memory_space<semaphore_mem>>)
      %dma_wait3A_162 = arith.constant 0 : i32
      %dma_wait3A_163 = tpu.memref_slice %arg7[%dma_wait3A_162] : memref<25088xi32, #tpu.memory_space<vmem>> -> memref<128xi32, #tpu.memory_space<vmem>>
      %dma_wait3A_164 = arith.constant 0 : i32
      %dma_wait3A_165 = arith.constant 0 : i32
      %dma_wait3A_166 = tpu.memref_slice %arg3[%dma_wait3A_164, %dma_wait3A_165] : memref<1000000x64xf32, #tpu.memory_space<hbm>> -> memref<1000000x64xf32, #tpu.memory_space<hbm>>
      tpu.wait_indirect_dma semaphore(%arg14 : memref<!tpu.dma_semaphore, #tpu.memory_space<semaphore_mem>>) src(%dma_wait3A_166 : memref<1000000x64xf32, #tpu.memory_space<hbm>>) dst(%arg10 : memref<128x64xf32, #tpu.memory_space<vmem>>)
      %scan3A_167 = arith.constant 0 : i32
      %scan3A_168 = arith.constant 128 : i32
      %scan3A_169 = arith.addi %scan3A_167, %scan3A_168 : i32
      %scan3A_170 = arith.constant 8 : i32
      %scan3A_171:4 = scf.for %scan3A_184 = %scan3A_167 to %scan3A_169 step %scan3A_170 iter_args(%scan3A_185 = %scan3A_149#0, %scan3A_186 = %scan3A_149#1, %scan3A_187 = %scan3A_149#2, %scan3A_188 = %scan3A_149#3) -> (vector<16xf32>, vector<16xf32>, vector<16xf32>, vector<16xf32>)  : i32 {
        %get3A = arith.index_cast %scan3A_184 : i32 to index
        %get3A_189 = arith.constant 0 : index
        %get3A_190 = tpu.vector_load %arg10[%get3A, %get3A_189] {strides = array<i32>} : memref<128x64xf32, #tpu.memory_space<vmem>>, vector<1x16xf32>,
        %get3A_191 = vector.shape_cast %get3A_190 : vector<1x16xf32> to vector<16xf32>
        %add3A_192 = arith.addf %scan3A_185, %get3A_191 : vector<16xf32>
        %get3A_193 = arith.index_cast %scan3A_184 : i32 to index
        %get3A_194 = arith.constant 16 : index
        %get3A_195 = tpu.vector_load %arg10[%get3A_193, %get3A_194] {strides = array<i32>} : memref<128x64xf32, #tpu.memory_space<vmem>>, vector<1x16xf32>,
        %get3A_196 = vector.shape_cast %get3A_195 : vector<1x16xf32> to vector<16xf32>
        %add3A_197 = arith.addf %scan3A_186, %get3A_196 : vector<16xf32>
        %get3A_198 = arith.index_cast %scan3A_184 : i32 to index
        %get3A_199 = arith.constant 32 : index
        %get3A_200 = tpu.vector_load %arg10[%get3A_198, %get3A_199] {strides = array<i32>} : memref<128x64xf32, #tpu.memory_space<vmem>>, vector<1x16xf32>,
        %get3A_201 = vector.shape_cast %get3A_200 : vector<1x16xf32> to vector<16xf32>
        %add3A_202 = arith.addf %scan3A_187, %get3A_201 : vector<16xf32>
        %get3A_203 = arith.index_cast %scan3A_184 : i32 to index
        %get3A_204 = arith.constant 48 : index
        %get3A_205 = tpu.vector_load %arg10[%get3A_203, %get3A_204] {strides = array<i32>} : memref<128x64xf32, #tpu.memory_space<vmem>>, vector<1x16xf32>,
        %get3A_206 = vector.shape_cast %get3A_205 : vector<1x16xf32> to vector<16xf32>
        %add3A_207 = arith.addf %scan3A_188, %get3A_206 : vector<16xf32>
        %scan3A_208 = arith.constant 1 : i32
        %scan3A_209 = arith.addi %scan3A_184, %scan3A_208 : i32
        %get3A_210 = arith.index_cast %scan3A_209 : i32 to index
        %get3A_211 = arith.constant 0 : index
        %get3A_212 = tpu.vector_load %arg10[%get3A_210, %get3A_211] {strides = array<i32>} : memref<128x64xf32, #tpu.memory_space<vmem>>, vector<1x16xf32>,
        %get3A_213 = vector.shape_cast %get3A_212 : vector<1x16xf32> to vector<16xf32>
        %add3A_214 = arith.addf %add3A_192, %get3A_213 : vector<16xf32>
        %get3A_215 = arith.index_cast %scan3A_209 : i32 to index
        %get3A_216 = arith.constant 16 : index
        %get3A_217 = tpu.vector_load %arg10[%get3A_215, %get3A_216] {strides = array<i32>} : memref<128x64xf32, #tpu.memory_space<vmem>>, vector<1x16xf32>,
        %get3A_218 = vector.shape_cast %get3A_217 : vector<1x16xf32> to vector<16xf32>
        %add3A_219 = arith.addf %add3A_197, %get3A_218 : vector<16xf32>
        %get3A_220 = arith.index_cast %scan3A_209 : i32 to index
        %get3A_221 = arith.constant 32 : index
        %get3A_222 = tpu.vector_load %arg10[%get3A_220, %get3A_221] {strides = array<i32>} : memref<128x64xf32, #tpu.memory_space<vmem>>, vector<1x16xf32>,
        %get3A_223 = vector.shape_cast %get3A_222 : vector<1x16xf32> to vector<16xf32>
        %add3A_224 = arith.addf %add3A_202, %get3A_223 : vector<16xf32>
        %get3A_225 = arith.index_cast %scan3A_209 : i32 to index
        %get3A_226 = arith.constant 48 : index
        %get3A_227 = tpu.vector_load %arg10[%get3A_225, %get3A_226] {strides = array<i32>} : memref<128x64xf32, #tpu.memory_space<vmem>>, vector<1x16xf32>,
        %get3A_228 = vector.shape_cast %get3A_227 : vector<1x16xf32> to vector<16xf32>
        %add3A_229 = arith.addf %add3A_207, %get3A_228 : vector<16xf32>
        %scan3A_230 = arith.constant 2 : i32
        %scan3A_231 = arith.addi %scan3A_184, %scan3A_230 : i32
        %get3A_232 = arith.index_cast %scan3A_231 : i32 to index
        %get3A_233 = arith.constant 0 : index
        %get3A_234 = tpu.vector_load %arg10[%get3A_232, %get3A_233] {strides = array<i32>} : memref<128x64xf32, #tpu.memory_space<vmem>>, vector<1x16xf32>,
        %get3A_235 = vector.shape_cast %get3A_234 : vector<1x16xf32> to vector<16xf32>
        %add3A_236 = arith.addf %add3A_214, %get3A_235 : vector<16xf32>
        %get3A_237 = arith.index_cast %scan3A_231 : i32 to index
        %get3A_238 = arith.constant 16 : index
        %get3A_239 = tpu.vector_load %arg10[%get3A_237, %get3A_238] {strides = array<i32>} : memref<128x64xf32, #tpu.memory_space<vmem>>, vector<1x16xf32>,
        %get3A_240 = vector.shape_cast %get3A_239 : vector<1x16xf32> to vector<16xf32>
        %add3A_241 = arith.addf %add3A_219, %get3A_240 : vector<16xf32>
        %get3A_242 = arith.index_cast %scan3A_231 : i32 to index
        %get3A_243 = arith.constant 32 : index
        %get3A_244 = tpu.vector_load %arg10[%get3A_242, %get3A_243] {strides = array<i32>} : memref<128x64xf32, #tpu.memory_space<vmem>>, vector<1x16xf32>,
        %get3A_245 = vector.shape_cast %get3A_244 : vector<1x16xf32> to vector<16xf32>
        %add3A_246 = arith.addf %add3A_224, %get3A_245 : vector<16xf32>
        %get3A_247 = arith.index_cast %scan3A_231 : i32 to index
        %get3A_248 = arith.constant 48 : index
        %get3A_249 = tpu.vector_load %arg10[%get3A_247, %get3A_248] {strides = array<i32>} : memref<128x64xf32, #tpu.memory_space<vmem>>, vector<1x16xf32>,
        %get3A_250 = vector.shape_cast %get3A_249 : vector<1x16xf32> to vector<16xf32>
        %add3A_251 = arith.addf %add3A_229, %get3A_250 : vector<16xf32>
        %scan3A_252 = arith.constant 3 : i32
        %scan3A_253 = arith.addi %scan3A_184, %scan3A_252 : i32
        %get3A_254 = arith.index_cast %scan3A_253 : i32 to index
        %get3A_255 = arith.constant 0 : index
        %get3A_256 = tpu.vector_load %arg10[%get3A_254, %get3A_255] {strides = array<i32>} : memref<128x64xf32, #tpu.memory_space<vmem>>, vector<1x16xf32>,
        %get3A_257 = vector.shape_cast %get3A_256 : vector<1x16xf32> to vector<16xf32>
        %add3A_258 = arith.addf %add3A_236, %get3A_257 : vector<16xf32>
        %get3A_259 = arith.index_cast %scan3A_253 : i32 to index
        %get3A_260 = arith.constant 16 : index
        %get3A_261 = tpu.vector_load %arg10[%get3A_259, %get3A_260] {strides = array<i32>} : memref<128x64xf32, #tpu.memory_space<vmem>>, vector<1x16xf32>,
        %get3A_262 = vector.shape_cast %get3A_261 : vector<1x16xf32> to vector<16xf32>
        %add3A_263 = arith.addf %add3A_241, %get3A_262 : vector<16xf32>
        %get3A_264 = arith.index_cast %scan3A_253 : i32 to index
        %get3A_265 = arith.constant 32 : index
        %get3A_266 = tpu.vector_load %arg10[%get3A_264, %get3A_265] {strides = array<i32>} : memref<128x64xf32, #tpu.memory_space<vmem>>, vector<1x16xf32>,
        %get3A_267 = vector.shape_cast %get3A_266 : vector<1x16xf32> to vector<16xf32>
        %add3A_268 = arith.addf %add3A_246, %get3A_267 : vector<16xf32>
        %get3A_269 = arith.index_cast %scan3A_253 : i32 to index
        %get3A_270 = arith.constant 48 : index
        %get3A_271 = tpu.vector_load %arg10[%get3A_269, %get3A_270] {strides = array<i32>} : memref<128x64xf32, #tpu.memory_space<vmem>>, vector<1x16xf32>,
        %get3A_272 = vector.shape_cast %get3A_271 : vector<1x16xf32> to vector<16xf32>
        %add3A_273 = arith.addf %add3A_251, %get3A_272 : vector<16xf32>
        %scan3A_274 = arith.constant 4 : i32
        %scan3A_275 = arith.addi %scan3A_184, %scan3A_274 : i32
        %get3A_276 = arith.index_cast %scan3A_275 : i32 to index
        %get3A_277 = arith.constant 0 : index
        %get3A_278 = tpu.vector_load %arg10[%get3A_276, %get3A_277] {strides = array<i32>} : memref<128x64xf32, #tpu.memory_space<vmem>>, vector<1x16xf32>,
        %get3A_279 = vector.shape_cast %get3A_278 : vector<1x16xf32> to vector<16xf32>
        %add3A_280 = arith.addf %add3A_258, %get3A_279 : vector<16xf32>
        %get3A_281 = arith.index_cast %scan3A_275 : i32 to index
        %get3A_282 = arith.constant 16 : index
        %get3A_283 = tpu.vector_load %arg10[%get3A_281, %get3A_282] {strides = array<i32>} : memref<128x64xf32, #tpu.memory_space<vmem>>, vector<1x16xf32>,
        %get3A_284 = vector.shape_cast %get3A_283 : vector<1x16xf32> to vector<16xf32>
        %add3A_285 = arith.addf %add3A_263, %get3A_284 : vector<16xf32>
        %get3A_286 = arith.index_cast %scan3A_275 : i32 to index
        %get3A_287 = arith.constant 32 : index
        %get3A_288 = tpu.vector_load %arg10[%get3A_286, %get3A_287] {strides = array<i32>} : memref<128x64xf32, #tpu.memory_space<vmem>>, vector<1x16xf32>,
        %get3A_289 = vector.shape_cast %get3A_288 : vector<1x16xf32> to vector<16xf32>
        %add3A_290 = arith.addf %add3A_268, %get3A_289 : vector<16xf32>
        %get3A_291 = arith.index_cast %scan3A_275 : i32 to index
        %get3A_292 = arith.constant 48 : index
        %get3A_293 = tpu.vector_load %arg10[%get3A_291, %get3A_292] {strides = array<i32>} : memref<128x64xf32, #tpu.memory_space<vmem>>, vector<1x16xf32>,
        %get3A_294 = vector.shape_cast %get3A_293 : vector<1x16xf32> to vector<16xf32>
        %add3A_295 = arith.addf %add3A_273, %get3A_294 : vector<16xf32>
        %scan3A_296 = arith.constant 5 : i32
        %scan3A_297 = arith.addi %scan3A_184, %scan3A_296 : i32
        %get3A_298 = arith.index_cast %scan3A_297 : i32 to index
        %get3A_299 = arith.constant 0 : index
        %get3A_300 = tpu.vector_load %arg10[%get3A_298, %get3A_299] {strides = array<i32>} : memref<128x64xf32, #tpu.memory_space<vmem>>, vector<1x16xf32>,
        %get3A_301 = vector.shape_cast %get3A_300 : vector<1x16xf32> to vector<16xf32>
        %add3A_302 = arith.addf %add3A_280, %get3A_301 : vector<16xf32>
        %get3A_303 = arith.index_cast %scan3A_297 : i32 to index
        %get3A_304 = arith.constant 16 : index
        %get3A_305 = tpu.vector_load %arg10[%get3A_303, %get3A_304] {strides = array<i32>} : memref<128x64xf32, #tpu.memory_space<vmem>>, vector<1x16xf32>,
        %get3A_306 = vector.shape_cast %get3A_305 : vector<1x16xf32> to vector<16xf32>
        %add3A_307 = arith.addf %add3A_285, %get3A_306 : vector<16xf32>
        %get3A_308 = arith.index_cast %scan3A_297 : i32 to index
        %get3A_309 = arith.constant 32 : index
        %get3A_310 = tpu.vector_load %arg10[%get3A_308, %get3A_309] {strides = array<i32>} : memref<128x64xf32, #tpu.memory_space<vmem>>, vector<1x16xf32>,
        %get3A_311 = vector.shape_cast %get3A_310 : vector<1x16xf32> to vector<16xf32>
        %add3A_312 = arith.addf %add3A_290, %get3A_311 : vector<16xf32>
        %get3A_313 = arith.index_cast %scan3A_297 : i32 to index
        %get3A_314 = arith.constant 48 : index
        %get3A_315 = tpu.vector_load %arg10[%get3A_313, %get3A_314] {strides = array<i32>} : memref<128x64xf32, #tpu.memory_space<vmem>>, vector<1x16xf32>,
        %get3A_316 = vector.shape_cast %get3A_315 : vector<1x16xf32> to vector<16xf32>
        %add3A_317 = arith.addf %add3A_295, %get3A_316 : vector<16xf32>
        %scan3A_318 = arith.constant 6 : i32
        %scan3A_319 = arith.addi %scan3A_184, %scan3A_318 : i32
        %get3A_320 = arith.index_cast %scan3A_319 : i32 to index
        %get3A_321 = arith.constant 0 : index
        %get3A_322 = tpu.vector_load %arg10[%get3A_320, %get3A_321] {strides = array<i32>} : memref<128x64xf32, #tpu.memory_space<vmem>>, vector<1x16xf32>,
        %get3A_323 = vector.shape_cast %get3A_322 : vector<1x16xf32> to vector<16xf32>
        %add3A_324 = arith.addf %add3A_302, %get3A_323 : vector<16xf32>
        %get3A_325 = arith.index_cast %scan3A_319 : i32 to index
        %get3A_326 = arith.constant 16 : index
        %get3A_327 = tpu.vector_load %arg10[%get3A_325, %get3A_326] {strides = array<i32>} : memref<128x64xf32, #tpu.memory_space<vmem>>, vector<1x16xf32>,
        %get3A_328 = vector.shape_cast %get3A_327 : vector<1x16xf32> to vector<16xf32>
        %add3A_329 = arith.addf %add3A_307, %get3A_328 : vector<16xf32>
        %get3A_330 = arith.index_cast %scan3A_319 : i32 to index
        %get3A_331 = arith.constant 32 : index
        %get3A_332 = tpu.vector_load %arg10[%get3A_330, %get3A_331] {strides = array<i32>} : memref<128x64xf32, #tpu.memory_space<vmem>>, vector<1x16xf32>,
        %get3A_333 = vector.shape_cast %get3A_332 : vector<1x16xf32> to vector<16xf32>
        %add3A_334 = arith.addf %add3A_312, %get3A_333 : vector<16xf32>
        %get3A_335 = arith.index_cast %scan3A_319 : i32 to index
        %get3A_336 = arith.constant 48 : index
        %get3A_337 = tpu.vector_load %arg10[%get3A_335, %get3A_336] {strides = array<i32>} : memref<128x64xf32, #tpu.memory_space<vmem>>, vector<1x16xf32>,
        %get3A_338 = vector.shape_cast %get3A_337 : vector<1x16xf32> to vector<16xf32>
        %add3A_339 = arith.addf %add3A_317, %get3A_338 : vector<16xf32>
        %scan3A_340 = arith.constant 7 : i32
        %scan3A_341 = arith.addi %scan3A_184, %scan3A_340 : i32
        %get3A_342 = arith.index_cast %scan3A_341 : i32 to index
        %get3A_343 = arith.constant 0 : index
        %get3A_344 = tpu.vector_load %arg10[%get3A_342, %get3A_343] {strides = array<i32>} : memref<128x64xf32, #tpu.memory_space<vmem>>, vector<1x16xf32>,
        %get3A_345 = vector.shape_cast %get3A_344 : vector<1x16xf32> to vector<16xf32>
        %add3A_346 = arith.addf %add3A_324, %get3A_345 : vector<16xf32>
        %get3A_347 = arith.index_cast %scan3A_341 : i32 to index
        %get3A_348 = arith.constant 16 : index
        %get3A_349 = tpu.vector_load %arg10[%get3A_347, %get3A_348] {strides = array<i32>} : memref<128x64xf32, #tpu.memory_space<vmem>>, vector<1x16xf32>,
        %get3A_350 = vector.shape_cast %get3A_349 : vector<1x16xf32> to vector<16xf32>
        %add3A_351 = arith.addf %add3A_329, %get3A_350 : vector<16xf32>
        %get3A_352 = arith.index_cast %scan3A_341 : i32 to index
        %get3A_353 = arith.constant 32 : index
        %get3A_354 = tpu.vector_load %arg10[%get3A_352, %get3A_353] {strides = array<i32>} : memref<128x64xf32, #tpu.memory_space<vmem>>, vector<1x16xf32>,
        %get3A_355 = vector.shape_cast %get3A_354 : vector<1x16xf32> to vector<16xf32>
        %add3A_356 = arith.addf %add3A_334, %get3A_355 : vector<16xf32>
        %get3A_357 = arith.index_cast %scan3A_341 : i32 to index
        %get3A_358 = arith.constant 48 : index
        %get3A_359 = tpu.vector_load %arg10[%get3A_357, %get3A_358] {strides = array<i32>} : memref<128x64xf32, #tpu.memory_space<vmem>>, vector<1x16xf32>,
        %get3A_360 = vector.shape_cast %get3A_359 : vector<1x16xf32> to vector<16xf32>
        %add3A_361 = arith.addf %add3A_339, %get3A_360 : vector<16xf32>
        scf.yield %add3A_346, %add3A_351, %add3A_356, %add3A_361 : vector<16xf32>, vector<16xf32>, vector<16xf32>, vector<16xf32>
      }
      %scan3A_172 = arith.constant 128 : i32
      %mul3A_173 = arith.constant 2 : i32
      %mul3A_174 = arith.muli %mul3A_173, %scan3A_135 : i32
      %add3A_175 = arith.constant 3 : i32
      %add3A_176 = arith.addi %mul3A_174, %add3A_175 : i32
      %mul3A_177 = arith.constant 128 : i32
      %mul3A_178 = arith.muli %add3A_176, %mul3A_177 : i32
      %multiple_of3A_179 = tpu.assume_multiple %mul3A_178, 128 : i32
      %dma_start3A_180 = tpu.memref_slice %arg7[%multiple_of3A_179] : memref<25088xi32, #tpu.memory_space<vmem>> -> memref<128xi32, #tpu.memory_space<vmem>>
      %dma_start3A_181 = arith.constant 0 : i32
      %dma_start3A_182 = arith.constant 0 : i32
      %dma_start3A_183 = tpu.memref_slice %arg3[%dma_start3A_181, %dma_start3A_182] : memref<1000000x64xf32, #tpu.memory_space<hbm>> -> memref<1000000x64xf32, #tpu.memory_space<hbm>>
      tpu.enqueue_indirect_dma source(%dma_start3A_183 : memref<1000000x64xf32, #tpu.memory_space<hbm>>) target(%arg10 : memref<128x64xf32, #tpu.memory_space<vmem>>) offsets(%dma_start3A_180 : memref<128xi32, #tpu.memory_space<vmem>>) semaphore(%arg14 : memref<!tpu.dma_semaphore, #tpu.memory_space<semaphore_mem>>)
      scf.yield %scan3A_171#0, %scan3A_171#1, %scan3A_171#2, %scan3A_171#3 : vector<16xf32>, vector<16xf32>, vector<16xf32>, vector<16xf32>
    }
    %scan3A_95 = arith.constant 97 : i32
    %dma_wait3A_96 = arith.constant 0 : i32
    %dma_wait3A_97 = tpu.memref_slice %arg7[%dma_wait3A_96] : memref<25088xi32, #tpu.memory_space<vmem>> -> memref<128xi32, #tpu.memory_space<vmem>>
    %dma_wait3A_98 = arith.constant 0 : i32
    %dma_wait3A_99 = arith.constant 0 : i32
    %dma_wait3A_100 = tpu.memref_slice %arg3[%dma_wait3A_98, %dma_wait3A_99] : memref<1000000x64xf32, #tpu.memory_space<hbm>> -> memref<1000000x64xf32, #tpu.memory_space<hbm>>
    tpu.wait_indirect_dma semaphore(%arg13 : memref<!tpu.dma_semaphore, #tpu.memory_space<semaphore_mem>>) src(%dma_wait3A_100 : memref<1000000x64xf32, #tpu.memory_space<hbm>>) dst(%arg9 : memref<128x64xf32, #tpu.memory_space<vmem>>)
    %scan3A_101 = arith.constant 0 : i32
    %scan3A_102 = arith.constant 128 : i32
    %scan3A_103 = arith.addi %scan3A_101, %scan3A_102 : i32
    %scan3A_104 = arith.constant 8 : i32
    %scan3A_105:4 = scf.for %scan3A_135 = %scan3A_101 to %scan3A_103 step %scan3A_104 iter_args(%scan3A_136 = %scan3A_94#0, %scan3A_137 = %scan3A_94#1, %scan3A_138 = %scan3A_94#2, %scan3A_139 = %scan3A_94#3) -> (vector<16xf32>, vector<16xf32>, vector<16xf32>, vector<16xf32>)  : i32 {
      %get3A = arith.index_cast %scan3A_135 : i32 to index
      %get3A_140 = arith.constant 0 : index
      %get3A_141 = tpu.vector_load %arg9[%get3A, %get3A_140] {strides = array<i32>} : memref<128x64xf32, #tpu.memory_space<vmem>>, vector<1x16xf32>,
      %get3A_142 = vector.shape_cast %get3A_141 : vector<1x16xf32> to vector<16xf32>
      %add3A_143 = arith.addf %scan3A_136, %get3A_142 : vector<16xf32>
      %get3A_144 = arith.index_cast %scan3A_135 : i32 to index
      %get3A_145 = arith.constant 16 : index
      %get3A_146 = tpu.vector_load %arg9[%get3A_144, %get3A_145] {strides = array<i32>} : memref<128x64xf32, #tpu.memory_space<vmem>>, vector<1x16xf32>,
      %get3A_147 = vector.shape_cast %get3A_146 : vector<1x16xf32> to vector<16xf32>
      %add3A_148 = arith.addf %scan3A_137, %get3A_147 : vector<16xf32>
      %get3A_149 = arith.index_cast %scan3A_135 : i32 to index
      %get3A_150 = arith.constant 32 : index
      %get3A_151 = tpu.vector_load %arg9[%get3A_149, %get3A_150] {strides = array<i32>} : memref<128x64xf32, #tpu.memory_space<vmem>>, vector<1x16xf32>,
      %get3A_152 = vector.shape_cast %get3A_151 : vector<1x16xf32> to vector<16xf32>
      %add3A_153 = arith.addf %scan3A_138, %get3A_152 : vector<16xf32>
      %get3A_154 = arith.index_cast %scan3A_135 : i32 to index
      %get3A_155 = arith.constant 48 : index
      %get3A_156 = tpu.vector_load %arg9[%get3A_154, %get3A_155] {strides = array<i32>} : memref<128x64xf32, #tpu.memory_space<vmem>>, vector<1x16xf32>,
      %get3A_157 = vector.shape_cast %get3A_156 : vector<1x16xf32> to vector<16xf32>
      %add3A_158 = arith.addf %scan3A_139, %get3A_157 : vector<16xf32>
      %scan3A_159 = arith.constant 1 : i32
      %scan3A_160 = arith.addi %scan3A_135, %scan3A_159 : i32
      %get3A_161 = arith.index_cast %scan3A_160 : i32 to index
      %get3A_162 = arith.constant 0 : index
      %get3A_163 = tpu.vector_load %arg9[%get3A_161, %get3A_162] {strides = array<i32>} : memref<128x64xf32, #tpu.memory_space<vmem>>, vector<1x16xf32>,
      %get3A_164 = vector.shape_cast %get3A_163 : vector<1x16xf32> to vector<16xf32>
      %add3A_165 = arith.addf %add3A_143, %get3A_164 : vector<16xf32>
      %get3A_166 = arith.index_cast %scan3A_160 : i32 to index
      %get3A_167 = arith.constant 16 : index
      %get3A_168 = tpu.vector_load %arg9[%get3A_166, %get3A_167] {strides = array<i32>} : memref<128x64xf32, #tpu.memory_space<vmem>>, vector<1x16xf32>,
      %get3A_169 = vector.shape_cast %get3A_168 : vector<1x16xf32> to vector<16xf32>
      %add3A_170 = arith.addf %add3A_148, %get3A_169 : vector<16xf32>
      %get3A_171 = arith.index_cast %scan3A_160 : i32 to index
      %get3A_172 = arith.constant 32 : index
      %get3A_173 = tpu.vector_load %arg9[%get3A_171, %get3A_172] {strides = array<i32>} : memref<128x64xf32, #tpu.memory_space<vmem>>, vector<1x16xf32>,
      %get3A_174 = vector.shape_cast %get3A_173 : vector<1x16xf32> to vector<16xf32>
      %add3A_175 = arith.addf %add3A_153, %get3A_174 : vector<16xf32>
      %get3A_176 = arith.index_cast %scan3A_160 : i32 to index
      %get3A_177 = arith.constant 48 : index
      %get3A_178 = tpu.vector_load %arg9[%get3A_176, %get3A_177] {strides = array<i32>} : memref<128x64xf32, #tpu.memory_space<vmem>>, vector<1x16xf32>,
      %get3A_179 = vector.shape_cast %get3A_178 : vector<1x16xf32> to vector<16xf32>
      %add3A_180 = arith.addf %add3A_158, %get3A_179 : vector<16xf32>
      %scan3A_181 = arith.constant 2 : i32
      %scan3A_182 = arith.addi %scan3A_135, %scan3A_181 : i32
      %get3A_183 = arith.index_cast %scan3A_182 : i32 to index
      %get3A_184 = arith.constant 0 : index
      %get3A_185 = tpu.vector_load %arg9[%get3A_183, %get3A_184] {strides = array<i32>} : memref<128x64xf32, #tpu.memory_space<vmem>>, vector<1x16xf32>,
      %get3A_186 = vector.shape_cast %get3A_185 : vector<1x16xf32> to vector<16xf32>
      %add3A_187 = arith.addf %add3A_165, %get3A_186 : vector<16xf32>
      %get3A_188 = arith.index_cast %scan3A_182 : i32 to index
      %get3A_189 = arith.constant 16 : index
      %get3A_190 = tpu.vector_load %arg9[%get3A_188, %get3A_189] {strides = array<i32>} : memref<128x64xf32, #tpu.memory_space<vmem>>, vector<1x16xf32>,
      %get3A_191 = vector.shape_cast %get3A_190 : vector<1x16xf32> to vector<16xf32>
      %add3A_192 = arith.addf %add3A_170, %get3A_191 : vector<16xf32>
      %get3A_193 = arith.index_cast %scan3A_182 : i32 to index
      %get3A_194 = arith.constant 32 : index
      %get3A_195 = tpu.vector_load %arg9[%get3A_193, %get3A_194] {strides = array<i32>} : memref<128x64xf32, #tpu.memory_space<vmem>>, vector<1x16xf32>,
      %get3A_196 = vector.shape_cast %get3A_195 : vector<1x16xf32> to vector<16xf32>
      %add3A_197 = arith.addf %add3A_175, %get3A_196 : vector<16xf32>
      %get3A_198 = arith.index_cast %scan3A_182 : i32 to index
      %get3A_199 = arith.constant 48 : index
      %get3A_200 = tpu.vector_load %arg9[%get3A_198, %get3A_199] {strides = array<i32>} : memref<128x64xf32, #tpu.memory_space<vmem>>, vector<1x16xf32>,
      %get3A_201 = vector.shape_cast %get3A_200 : vector<1x16xf32> to vector<16xf32>
      %add3A_202 = arith.addf %add3A_180, %get3A_201 : vector<16xf32>
      %scan3A_203 = arith.constant 3 : i32
      %scan3A_204 = arith.addi %scan3A_135, %scan3A_203 : i32
      %get3A_205 = arith.index_cast %scan3A_204 : i32 to index
      %get3A_206 = arith.constant 0 : index
      %get3A_207 = tpu.vector_load %arg9[%get3A_205, %get3A_206] {strides = array<i32>} : memref<128x64xf32, #tpu.memory_space<vmem>>, vector<1x16xf32>,
      %get3A_208 = vector.shape_cast %get3A_207 : vector<1x16xf32> to vector<16xf32>
      %add3A_209 = arith.addf %add3A_187, %get3A_208 : vector<16xf32>
      %get3A_210 = arith.index_cast %scan3A_204 : i32 to index
      %get3A_211 = arith.constant 16 : index
      %get3A_212 = tpu.vector_load %arg9[%get3A_210, %get3A_211] {strides = array<i32>} : memref<128x64xf32, #tpu.memory_space<vmem>>, vector<1x16xf32>,
      %get3A_213 = vector.shape_cast %get3A_212 : vector<1x16xf32> to vector<16xf32>
      %add3A_214 = arith.addf %add3A_192, %get3A_213 : vector<16xf32>
      %get3A_215 = arith.index_cast %scan3A_204 : i32 to index
      %get3A_216 = arith.constant 32 : index
      %get3A_217 = tpu.vector_load %arg9[%get3A_215, %get3A_216] {strides = array<i32>} : memref<128x64xf32, #tpu.memory_space<vmem>>, vector<1x16xf32>,
      %get3A_218 = vector.shape_cast %get3A_217 : vector<1x16xf32> to vector<16xf32>
      %add3A_219 = arith.addf %add3A_197, %get3A_218 : vector<16xf32>
      %get3A_220 = arith.index_cast %scan3A_204 : i32 to index
      %get3A_221 = arith.constant 48 : index
      %get3A_222 = tpu.vector_load %arg9[%get3A_220, %get3A_221] {strides = array<i32>} : memref<128x64xf32, #tpu.memory_space<vmem>>, vector<1x16xf32>,
      %get3A_223 = vector.shape_cast %get3A_222 : vector<1x16xf32> to vector<16xf32>
      %add3A_224 = arith.addf %add3A_202, %get3A_223 : vector<16xf32>
      %scan3A_225 = arith.constant 4 : i32
      %scan3A_226 = arith.addi %scan3A_135, %scan3A_225 : i32
      %get3A_227 = arith.index_cast %scan3A_226 : i32 to index
      %get3A_228 = arith.constant 0 : index
      %get3A_229 = tpu.vector_load %arg9[%get3A_227, %get3A_228] {strides = array<i32>} : memref<128x64xf32, #tpu.memory_space<vmem>>, vector<1x16xf32>,
      %get3A_230 = vector.shape_cast %get3A_229 : vector<1x16xf32> to vector<16xf32>
      %add3A_231 = arith.addf %add3A_209, %get3A_230 : vector<16xf32>
      %get3A_232 = arith.index_cast %scan3A_226 : i32 to index
      %get3A_233 = arith.constant 16 : index
      %get3A_234 = tpu.vector_load %arg9[%get3A_232, %get3A_233] {strides = array<i32>} : memref<128x64xf32, #tpu.memory_space<vmem>>, vector<1x16xf32>,
      %get3A_235 = vector.shape_cast %get3A_234 : vector<1x16xf32> to vector<16xf32>
      %add3A_236 = arith.addf %add3A_214, %get3A_235 : vector<16xf32>
      %get3A_237 = arith.index_cast %scan3A_226 : i32 to index
      %get3A_238 = arith.constant 32 : index
      %get3A_239 = tpu.vector_load %arg9[%get3A_237, %get3A_238] {strides = array<i32>} : memref<128x64xf32, #tpu.memory_space<vmem>>, vector<1x16xf32>,
      %get3A_240 = vector.shape_cast %get3A_239 : vector<1x16xf32> to vector<16xf32>
      %add3A_241 = arith.addf %add3A_219, %get3A_240 : vector<16xf32>
      %get3A_242 = arith.index_cast %scan3A_226 : i32 to index
      %get3A_243 = arith.constant 48 : index
      %get3A_244 = tpu.vector_load %arg9[%get3A_242, %get3A_243] {strides = array<i32>} : memref<128x64xf32, #tpu.memory_space<vmem>>, vector<1x16xf32>,
      %get3A_245 = vector.shape_cast %get3A_244 : vector<1x16xf32> to vector<16xf32>
      %add3A_246 = arith.addf %add3A_224, %get3A_245 : vector<16xf32>
      %scan3A_247 = arith.constant 5 : i32
      %scan3A_248 = arith.addi %scan3A_135, %scan3A_247 : i32
      %get3A_249 = arith.index_cast %scan3A_248 : i32 to index
      %get3A_250 = arith.constant 0 : index
      %get3A_251 = tpu.vector_load %arg9[%get3A_249, %get3A_250] {strides = array<i32>} : memref<128x64xf32, #tpu.memory_space<vmem>>, vector<1x16xf32>,
      %get3A_252 = vector.shape_cast %get3A_251 : vector<1x16xf32> to vector<16xf32>
      %add3A_253 = arith.addf %add3A_231, %get3A_252 : vector<16xf32>
      %get3A_254 = arith.index_cast %scan3A_248 : i32 to index
      %get3A_255 = arith.constant 16 : index
      %get3A_256 = tpu.vector_load %arg9[%get3A_254, %get3A_255] {strides = array<i32>} : memref<128x64xf32, #tpu.memory_space<vmem>>, vector<1x16xf32>,
      %get3A_257 = vector.shape_cast %get3A_256 : vector<1x16xf32> to vector<16xf32>
      %add3A_258 = arith.addf %add3A_236, %get3A_257 : vector<16xf32>
      %get3A_259 = arith.index_cast %scan3A_248 : i32 to index
      %get3A_260 = arith.constant 32 : index
      %get3A_261 = tpu.vector_load %arg9[%get3A_259, %get3A_260] {strides = array<i32>} : memref<128x64xf32, #tpu.memory_space<vmem>>, vector<1x16xf32>,
      %get3A_262 = vector.shape_cast %get3A_261 : vector<1x16xf32> to vector<16xf32>
      %add3A_263 = arith.addf %add3A_241, %get3A_262 : vector<16xf32>
      %get3A_264 = arith.index_cast %scan3A_248 : i32 to index
      %get3A_265 = arith.constant 48 : index
      %get3A_266 = tpu.vector_load %arg9[%get3A_264, %get3A_265] {strides = array<i32>} : memref<128x64xf32, #tpu.memory_space<vmem>>, vector<1x16xf32>,
      %get3A_267 = vector.shape_cast %get3A_266 : vector<1x16xf32> to vector<16xf32>
      %add3A_268 = arith.addf %add3A_246, %get3A_267 : vector<16xf32>
      %scan3A_269 = arith.constant 6 : i32
      %scan3A_270 = arith.addi %scan3A_135, %scan3A_269 : i32
      %get3A_271 = arith.index_cast %scan3A_270 : i32 to index
      %get3A_272 = arith.constant 0 : index
      %get3A_273 = tpu.vector_load %arg9[%get3A_271, %get3A_272] {strides = array<i32>} : memref<128x64xf32, #tpu.memory_space<vmem>>, vector<1x16xf32>,
      %get3A_274 = vector.shape_cast %get3A_273 : vector<1x16xf32> to vector<16xf32>
      %add3A_275 = arith.addf %add3A_253, %get3A_274 : vector<16xf32>
      %get3A_276 = arith.index_cast %scan3A_270 : i32 to index
      %get3A_277 = arith.constant 16 : index
      %get3A_278 = tpu.vector_load %arg9[%get3A_276, %get3A_277] {strides = array<i32>} : memref<128x64xf32, #tpu.memory_space<vmem>>, vector<1x16xf32>,
      %get3A_279 = vector.shape_cast %get3A_278 : vector<1x16xf32> to vector<16xf32>
      %add3A_280 = arith.addf %add3A_258, %get3A_279 : vector<16xf32>
      %get3A_281 = arith.index_cast %scan3A_270 : i32 to index
      %get3A_282 = arith.constant 32 : index
      %get3A_283 = tpu.vector_load %arg9[%get3A_281, %get3A_282] {strides = array<i32>} : memref<128x64xf32, #tpu.memory_space<vmem>>, vector<1x16xf32>,
      %get3A_284 = vector.shape_cast %get3A_283 : vector<1x16xf32> to vector<16xf32>
      %add3A_285 = arith.addf %add3A_263, %get3A_284 : vector<16xf32>
      %get3A_286 = arith.index_cast %scan3A_270 : i32 to index
      %get3A_287 = arith.constant 48 : index
      %get3A_288 = tpu.vector_load %arg9[%get3A_286, %get3A_287] {strides = array<i32>} : memref<128x64xf32, #tpu.memory_space<vmem>>, vector<1x16xf32>,
      %get3A_289 = vector.shape_cast %get3A_288 : vector<1x16xf32> to vector<16xf32>
      %add3A_290 = arith.addf %add3A_268, %get3A_289 : vector<16xf32>
      %scan3A_291 = arith.constant 7 : i32
      %scan3A_292 = arith.addi %scan3A_135, %scan3A_291 : i32
      %get3A_293 = arith.index_cast %scan3A_292 : i32 to index
      %get3A_294 = arith.constant 0 : index
      %get3A_295 = tpu.vector_load %arg9[%get3A_293, %get3A_294] {strides = array<i32>} : memref<128x64xf32, #tpu.memory_space<vmem>>, vector<1x16xf32>,
      %get3A_296 = vector.shape_cast %get3A_295 : vector<1x16xf32> to vector<16xf32>
      %add3A_297 = arith.addf %add3A_275, %get3A_296 : vector<16xf32>
      %get3A_298 = arith.index_cast %scan3A_292 : i32 to index
      %get3A_299 = arith.constant 16 : index
      %get3A_300 = tpu.vector_load %arg9[%get3A_298, %get3A_299] {strides = array<i32>} : memref<128x64xf32, #tpu.memory_space<vmem>>, vector<1x16xf32>,
      %get3A_301 = vector.shape_cast %get3A_300 : vector<1x16xf32> to vector<16xf32>
      %add3A_302 = arith.addf %add3A_280, %get3A_301 : vector<16xf32>
      %get3A_303 = arith.index_cast %scan3A_292 : i32 to index
      %get3A_304 = arith.constant 32 : index
      %get3A_305 = tpu.vector_load %arg9[%get3A_303, %get3A_304] {strides = array<i32>} : memref<128x64xf32, #tpu.memory_space<vmem>>, vector<1x16xf32>,
      %get3A_306 = vector.shape_cast %get3A_305 : vector<1x16xf32> to vector<16xf32>
      %add3A_307 = arith.addf %add3A_285, %get3A_306 : vector<16xf32>
      %get3A_308 = arith.index_cast %scan3A_292 : i32 to index
      %get3A_309 = arith.constant 48 : index
      %get3A_310 = tpu.vector_load %arg9[%get3A_308, %get3A_309] {strides = array<i32>} : memref<128x64xf32, #tpu.memory_space<vmem>>, vector<1x16xf32>,
      %get3A_311 = vector.shape_cast %get3A_310 : vector<1x16xf32> to vector<16xf32>
      %add3A_312 = arith.addf %add3A_290, %get3A_311 : vector<16xf32>
      scf.yield %add3A_297, %add3A_302, %add3A_307, %add3A_312 : vector<16xf32>, vector<16xf32>, vector<16xf32>, vector<16xf32>
    }
    %scan3A_106 = arith.constant 128 : i32
    %dma_wait3A_107 = arith.constant 0 : i32
    %dma_wait3A_108 = tpu.memref_slice %arg7[%dma_wait3A_107] : memref<25088xi32, #tpu.memory_space<vmem>> -> memref<128xi32, #tpu.memory_space<vmem>>
    %dma_wait3A_109 = arith.constant 0 : i32
    %dma_wait3A_110 = arith.constant 0 : i32
    %dma_wait3A_111 = tpu.memref_slice %arg3[%dma_wait3A_109, %dma_wait3A_110] : memref<1000000x64xf32, #tpu.memory_space<hbm>> -> memref<1000000x64xf32, #tpu.memory_space<hbm>>
    tpu.wait_indirect_dma semaphore(%arg14 : memref<!tpu.dma_semaphore, #tpu.memory_space<semaphore_mem>>) src(%dma_wait3A_111 : memref<1000000x64xf32, #tpu.memory_space<hbm>>) dst(%arg10 : memref<128x64xf32, #tpu.memory_space<vmem>>)
    %scan3A_112 = arith.constant 0 : i32
    %scan3A_113 = arith.constant 128 : i32
    %scan3A_114 = arith.addi %scan3A_112, %scan3A_113 : i32
    %scan3A_115 = arith.constant 8 : i32
    %scan3A_116:4 = scf.for %scan3A_135 = %scan3A_112 to %scan3A_114 step %scan3A_115 iter_args(%scan3A_136 = %scan3A_105#0, %scan3A_137 = %scan3A_105#1, %scan3A_138 = %scan3A_105#2, %scan3A_139 = %scan3A_105#3) -> (vector<16xf32>, vector<16xf32>, vector<16xf32>, vector<16xf32>)  : i32 {
      %get3A = arith.index_cast %scan3A_135 : i32 to index
      %get3A_140 = arith.constant 0 : index
      %get3A_141 = tpu.vector_load %arg10[%get3A, %get3A_140] {strides = array<i32>} : memref<128x64xf32, #tpu.memory_space<vmem>>, vector<1x16xf32>,
      %get3A_142 = vector.shape_cast %get3A_141 : vector<1x16xf32> to vector<16xf32>
      %add3A_143 = arith.addf %scan3A_136, %get3A_142 : vector<16xf32>
      %get3A_144 = arith.index_cast %scan3A_135 : i32 to index
      %get3A_145 = arith.constant 16 : index
      %get3A_146 = tpu.vector_load %arg10[%get3A_144, %get3A_145] {strides = array<i32>} : memref<128x64xf32, #tpu.memory_space<vmem>>, vector<1x16xf32>,
      %get3A_147 = vector.shape_cast %get3A_146 : vector<1x16xf32> to vector<16xf32>
      %add3A_148 = arith.addf %scan3A_137, %get3A_147 : vector<16xf32>
      %get3A_149 = arith.index_cast %scan3A_135 : i32 to index
      %get3A_150 = arith.constant 32 : index
      %get3A_151 = tpu.vector_load %arg10[%get3A_149, %get3A_150] {strides = array<i32>} : memref<128x64xf32, #tpu.memory_space<vmem>>, vector<1x16xf32>,
      %get3A_152 = vector.shape_cast %get3A_151 : vector<1x16xf32> to vector<16xf32>
      %add3A_153 = arith.addf %scan3A_138, %get3A_152 : vector<16xf32>
      %get3A_154 = arith.index_cast %scan3A_135 : i32 to index
      %get3A_155 = arith.constant 48 : index
      %get3A_156 = tpu.vector_load %arg10[%get3A_154, %get3A_155] {strides = array<i32>} : memref<128x64xf32, #tpu.memory_space<vmem>>, vector<1x16xf32>,
      %get3A_157 = vector.shape_cast %get3A_156 : vector<1x16xf32> to vector<16xf32>
      %add3A_158 = arith.addf %scan3A_139, %get3A_157 : vector<16xf32>
      %scan3A_159 = arith.constant 1 : i32
      %scan3A_160 = arith.addi %scan3A_135, %scan3A_159 : i32
      %get3A_161 = arith.index_cast %scan3A_160 : i32 to index
      %get3A_162 = arith.constant 0 : index
      %get3A_163 = tpu.vector_load %arg10[%get3A_161, %get3A_162] {strides = array<i32>} : memref<128x64xf32, #tpu.memory_space<vmem>>, vector<1x16xf32>,
      %get3A_164 = vector.shape_cast %get3A_163 : vector<1x16xf32> to vector<16xf32>
      %add3A_165 = arith.addf %add3A_143, %get3A_164 : vector<16xf32>
      %get3A_166 = arith.index_cast %scan3A_160 : i32 to index
      %get3A_167 = arith.constant 16 : index
      %get3A_168 = tpu.vector_load %arg10[%get3A_166, %get3A_167] {strides = array<i32>} : memref<128x64xf32, #tpu.memory_space<vmem>>, vector<1x16xf32>,
      %get3A_169 = vector.shape_cast %get3A_168 : vector<1x16xf32> to vector<16xf32>
      %add3A_170 = arith.addf %add3A_148, %get3A_169 : vector<16xf32>
      %get3A_171 = arith.index_cast %scan3A_160 : i32 to index
      %get3A_172 = arith.constant 32 : index
      %get3A_173 = tpu.vector_load %arg10[%get3A_171, %get3A_172] {strides = array<i32>} : memref<128x64xf32, #tpu.memory_space<vmem>>, vector<1x16xf32>,
      %get3A_174 = vector.shape_cast %get3A_173 : vector<1x16xf32> to vector<16xf32>
      %add3A_175 = arith.addf %add3A_153, %get3A_174 : vector<16xf32>
      %get3A_176 = arith.index_cast %scan3A_160 : i32 to index
      %get3A_177 = arith.constant 48 : index
      %get3A_178 = tpu.vector_load %arg10[%get3A_176, %get3A_177] {strides = array<i32>} : memref<128x64xf32, #tpu.memory_space<vmem>>, vector<1x16xf32>,
      %get3A_179 = vector.shape_cast %get3A_178 : vector<1x16xf32> to vector<16xf32>
      %add3A_180 = arith.addf %add3A_158, %get3A_179 : vector<16xf32>
      %scan3A_181 = arith.constant 2 : i32
      %scan3A_182 = arith.addi %scan3A_135, %scan3A_181 : i32
      %get3A_183 = arith.index_cast %scan3A_182 : i32 to index
      %get3A_184 = arith.constant 0 : index
      %get3A_185 = tpu.vector_load %arg10[%get3A_183, %get3A_184] {strides = array<i32>} : memref<128x64xf32, #tpu.memory_space<vmem>>, vector<1x16xf32>,
      %get3A_186 = vector.shape_cast %get3A_185 : vector<1x16xf32> to vector<16xf32>
      %add3A_187 = arith.addf %add3A_165, %get3A_186 : vector<16xf32>
      %get3A_188 = arith.index_cast %scan3A_182 : i32 to index
      %get3A_189 = arith.constant 16 : index
      %get3A_190 = tpu.vector_load %arg10[%get3A_188, %get3A_189] {strides = array<i32>} : memref<128x64xf32, #tpu.memory_space<vmem>>, vector<1x16xf32>,
      %get3A_191 = vector.shape_cast %get3A_190 : vector<1x16xf32> to vector<16xf32>
      %add3A_192 = arith.addf %add3A_170, %get3A_191 : vector<16xf32>
      %get3A_193 = arith.index_cast %scan3A_182 : i32 to index
      %get3A_194 = arith.constant 32 : index
      %get3A_195 = tpu.vector_load %arg10[%get3A_193, %get3A_194] {strides = array<i32>} : memref<128x64xf32, #tpu.memory_space<vmem>>, vector<1x16xf32>,
      %get3A_196 = vector.shape_cast %get3A_195 : vector<1x16xf32> to vector<16xf32>
      %add3A_197 = arith.addf %add3A_175, %get3A_196 : vector<16xf32>
      %get3A_198 = arith.index_cast %scan3A_182 : i32 to index
      %get3A_199 = arith.constant 48 : index
      %get3A_200 = tpu.vector_load %arg10[%get3A_198, %get3A_199] {strides = array<i32>} : memref<128x64xf32, #tpu.memory_space<vmem>>, vector<1x16xf32>,
      %get3A_201 = vector.shape_cast %get3A_200 : vector<1x16xf32> to vector<16xf32>
      %add3A_202 = arith.addf %add3A_180, %get3A_201 : vector<16xf32>
      %scan3A_203 = arith.constant 3 : i32
      %scan3A_204 = arith.addi %scan3A_135, %scan3A_203 : i32
      %get3A_205 = arith.index_cast %scan3A_204 : i32 to index
      %get3A_206 = arith.constant 0 : index
      %get3A_207 = tpu.vector_load %arg10[%get3A_205, %get3A_206] {strides = array<i32>} : memref<128x64xf32, #tpu.memory_space<vmem>>, vector<1x16xf32>,
      %get3A_208 = vector.shape_cast %get3A_207 : vector<1x16xf32> to vector<16xf32>
      %add3A_209 = arith.addf %add3A_187, %get3A_208 : vector<16xf32>
      %get3A_210 = arith.index_cast %scan3A_204 : i32 to index
      %get3A_211 = arith.constant 16 : index
      %get3A_212 = tpu.vector_load %arg10[%get3A_210, %get3A_211] {strides = array<i32>} : memref<128x64xf32, #tpu.memory_space<vmem>>, vector<1x16xf32>,
      %get3A_213 = vector.shape_cast %get3A_212 : vector<1x16xf32> to vector<16xf32>
      %add3A_214 = arith.addf %add3A_192, %get3A_213 : vector<16xf32>
      %get3A_215 = arith.index_cast %scan3A_204 : i32 to index
      %get3A_216 = arith.constant 32 : index
      %get3A_217 = tpu.vector_load %arg10[%get3A_215, %get3A_216] {strides = array<i32>} : memref<128x64xf32, #tpu.memory_space<vmem>>, vector<1x16xf32>,
      %get3A_218 = vector.shape_cast %get3A_217 : vector<1x16xf32> to vector<16xf32>
      %add3A_219 = arith.addf %add3A_197, %get3A_218 : vector<16xf32>
      %get3A_220 = arith.index_cast %scan3A_204 : i32 to index
      %get3A_221 = arith.constant 48 : index
      %get3A_222 = tpu.vector_load %arg10[%get3A_220, %get3A_221] {strides = array<i32>} : memref<128x64xf32, #tpu.memory_space<vmem>>, vector<1x16xf32>,
      %get3A_223 = vector.shape_cast %get3A_222 : vector<1x16xf32> to vector<16xf32>
      %add3A_224 = arith.addf %add3A_202, %get3A_223 : vector<16xf32>
      %scan3A_225 = arith.constant 4 : i32
      %scan3A_226 = arith.addi %scan3A_135, %scan3A_225 : i32
      %get3A_227 = arith.index_cast %scan3A_226 : i32 to index
      %get3A_228 = arith.constant 0 : index
      %get3A_229 = tpu.vector_load %arg10[%get3A_227, %get3A_228] {strides = array<i32>} : memref<128x64xf32, #tpu.memory_space<vmem>>, vector<1x16xf32>,
      %get3A_230 = vector.shape_cast %get3A_229 : vector<1x16xf32> to vector<16xf32>
      %add3A_231 = arith.addf %add3A_209, %get3A_230 : vector<16xf32>
      %get3A_232 = arith.index_cast %scan3A_226 : i32 to index
      %get3A_233 = arith.constant 16 : index
      %get3A_234 = tpu.vector_load %arg10[%get3A_232, %get3A_233] {strides = array<i32>} : memref<128x64xf32, #tpu.memory_space<vmem>>, vector<1x16xf32>,
      %get3A_235 = vector.shape_cast %get3A_234 : vector<1x16xf32> to vector<16xf32>
      %add3A_236 = arith.addf %add3A_214, %get3A_235 : vector<16xf32>
      %get3A_237 = arith.index_cast %scan3A_226 : i32 to index
      %get3A_238 = arith.constant 32 : index
      %get3A_239 = tpu.vector_load %arg10[%get3A_237, %get3A_238] {strides = array<i32>} : memref<128x64xf32, #tpu.memory_space<vmem>>, vector<1x16xf32>,
      %get3A_240 = vector.shape_cast %get3A_239 : vector<1x16xf32> to vector<16xf32>
      %add3A_241 = arith.addf %add3A_219, %get3A_240 : vector<16xf32>
      %get3A_242 = arith.index_cast %scan3A_226 : i32 to index
      %get3A_243 = arith.constant 48 : index
      %get3A_244 = tpu.vector_load %arg10[%get3A_242, %get3A_243] {strides = array<i32>} : memref<128x64xf32, #tpu.memory_space<vmem>>, vector<1x16xf32>,
      %get3A_245 = vector.shape_cast %get3A_244 : vector<1x16xf32> to vector<16xf32>
      %add3A_246 = arith.addf %add3A_224, %get3A_245 : vector<16xf32>
      %scan3A_247 = arith.constant 5 : i32
      %scan3A_248 = arith.addi %scan3A_135, %scan3A_247 : i32
      %get3A_249 = arith.index_cast %scan3A_248 : i32 to index
      %get3A_250 = arith.constant 0 : index
      %get3A_251 = tpu.vector_load %arg10[%get3A_249, %get3A_250] {strides = array<i32>} : memref<128x64xf32, #tpu.memory_space<vmem>>, vector<1x16xf32>,
      %get3A_252 = vector.shape_cast %get3A_251 : vector<1x16xf32> to vector<16xf32>
      %add3A_253 = arith.addf %add3A_231, %get3A_252 : vector<16xf32>
      %get3A_254 = arith.index_cast %scan3A_248 : i32 to index
      %get3A_255 = arith.constant 16 : index
      %get3A_256 = tpu.vector_load %arg10[%get3A_254, %get3A_255] {strides = array<i32>} : memref<128x64xf32, #tpu.memory_space<vmem>>, vector<1x16xf32>,
      %get3A_257 = vector.shape_cast %get3A_256 : vector<1x16xf32> to vector<16xf32>
      %add3A_258 = arith.addf %add3A_236, %get3A_257 : vector<16xf32>
      %get3A_259 = arith.index_cast %scan3A_248 : i32 to index
      %get3A_260 = arith.constant 32 : index
      %get3A_261 = tpu.vector_load %arg10[%get3A_259, %get3A_260] {strides = array<i32>} : memref<128x64xf32, #tpu.memory_space<vmem>>, vector<1x16xf32>,
      %get3A_262 = vector.shape_cast %get3A_261 : vector<1x16xf32> to vector<16xf32>
      %add3A_263 = arith.addf %add3A_241, %get3A_262 : vector<16xf32>
      %get3A_264 = arith.index_cast %scan3A_248 : i32 to index
      %get3A_265 = arith.constant 48 : index
      %get3A_266 = tpu.vector_load %arg10[%get3A_264, %get3A_265] {strides = array<i32>} : memref<128x64xf32, #tpu.memory_space<vmem>>, vector<1x16xf32>,
      %get3A_267 = vector.shape_cast %get3A_266 : vector<1x16xf32> to vector<16xf32>
      %add3A_268 = arith.addf %add3A_246, %get3A_267 : vector<16xf32>
      %scan3A_269 = arith.constant 6 : i32
      %scan3A_270 = arith.addi %scan3A_135, %scan3A_269 : i32
      %get3A_271 = arith.index_cast %scan3A_270 : i32 to index
      %get3A_272 = arith.constant 0 : index
      %get3A_273 = tpu.vector_load %arg10[%get3A_271, %get3A_272] {strides = array<i32>} : memref<128x64xf32, #tpu.memory_space<vmem>>, vector<1x16xf32>,
      %get3A_274 = vector.shape_cast %get3A_273 : vector<1x16xf32> to vector<16xf32>
      %add3A_275 = arith.addf %add3A_253, %get3A_274 : vector<16xf32>
      %get3A_276 = arith.index_cast %scan3A_270 : i32 to index
      %get3A_277 = arith.constant 16 : index
      %get3A_278 = tpu.vector_load %arg10[%get3A_276, %get3A_277] {strides = array<i32>} : memref<128x64xf32, #tpu.memory_space<vmem>>, vector<1x16xf32>,
      %get3A_279 = vector.shape_cast %get3A_278 : vector<1x16xf32> to vector<16xf32>
      %add3A_280 = arith.addf %add3A_258, %get3A_279 : vector<16xf32>
      %get3A_281 = arith.index_cast %scan3A_270 : i32 to index
      %get3A_282 = arith.constant 32 : index
      %get3A_283 = tpu.vector_load %arg10[%get3A_281, %get3A_282] {strides = array<i32>} : memref<128x64xf32, #tpu.memory_space<vmem>>, vector<1x16xf32>,
      %get3A_284 = vector.shape_cast %get3A_283 : vector<1x16xf32> to vector<16xf32>
      %add3A_285 = arith.addf %add3A_263, %get3A_284 : vector<16xf32>
      %get3A_286 = arith.index_cast %scan3A_270 : i32 to index
      %get3A_287 = arith.constant 48 : index
      %get3A_288 = tpu.vector_load %arg10[%get3A_286, %get3A_287] {strides = array<i32>} : memref<128x64xf32, #tpu.memory_space<vmem>>, vector<1x16xf32>,
      %get3A_289 = vector.shape_cast %get3A_288 : vector<1x16xf32> to vector<16xf32>
      %add3A_290 = arith.addf %add3A_268, %get3A_289 : vector<16xf32>
      %scan3A_291 = arith.constant 7 : i32
      %scan3A_292 = arith.addi %scan3A_135, %scan3A_291 : i32
      %get3A_293 = arith.index_cast %scan3A_292 : i32 to index
      %get3A_294 = arith.constant 0 : index
      %get3A_295 = tpu.vector_load %arg10[%get3A_293, %get3A_294] {strides = array<i32>} : memref<128x64xf32, #tpu.memory_space<vmem>>, vector<1x16xf32>,
      %get3A_296 = vector.shape_cast %get3A_295 : vector<1x16xf32> to vector<16xf32>
      %add3A_297 = arith.addf %add3A_275, %get3A_296 : vector<16xf32>
      %get3A_298 = arith.index_cast %scan3A_292 : i32 to index
      %get3A_299 = arith.constant 16 : index
      %get3A_300 = tpu.vector_load %arg10[%get3A_298, %get3A_299] {strides = array<i32>} : memref<128x64xf32, #tpu.memory_space<vmem>>, vector<1x16xf32>,
      %get3A_301 = vector.shape_cast %get3A_300 : vector<1x16xf32> to vector<16xf32>
      %add3A_302 = arith.addf %add3A_280, %get3A_301 : vector<16xf32>
      %get3A_303 = arith.index_cast %scan3A_292 : i32 to index
      %get3A_304 = arith.constant 32 : index
      %get3A_305 = tpu.vector_load %arg10[%get3A_303, %get3A_304] {strides = array<i32>} : memref<128x64xf32, #tpu.memory_space<vmem>>, vector<1x16xf32>,
      %get3A_306 = vector.shape_cast %get3A_305 : vector<1x16xf32> to vector<16xf32>
      %add3A_307 = arith.addf %add3A_285, %get3A_306 : vector<16xf32>
      %get3A_308 = arith.index_cast %scan3A_292 : i32 to index
      %get3A_309 = arith.constant 48 : index
      %get3A_310 = tpu.vector_load %arg10[%get3A_308, %get3A_309] {strides = array<i32>} : memref<128x64xf32, #tpu.memory_space<vmem>>, vector<1x16xf32>,
      %get3A_311 = vector.shape_cast %get3A_310 : vector<1x16xf32> to vector<16xf32>
      %add3A_312 = arith.addf %add3A_290, %get3A_311 : vector<16xf32>
      scf.yield %add3A_297, %add3A_302, %add3A_307, %add3A_312 : vector<16xf32>, vector<16xf32>, vector<16xf32>, vector<16xf32>
    }
    %scan3A_117 = arith.constant 128 : i32
    %swap3A = arith.constant 0 : index
    %swap3A_118 = tpu.vector_load %arg11[%swap3A] {strides = array<i32>} : memref<64xf32, #tpu.memory_space<vmem>>, vector<16xf32>,
    %swap3A_119 = vector.shape_cast %swap3A_118 : vector<16xf32> to vector<16xf32>
    %swap3A_120 = vector.shape_cast %scan3A_116#0 : vector<16xf32> to vector<16xf32>
    tpu.vector_store %arg11[%swap3A], %swap3A_120 {strides = array<i32>} : memref<64xf32, #tpu.memory_space<vmem>>, vector<16xf32>,
    %swap3A_121 = arith.constant 16 : index
    %swap3A_122 = tpu.vector_load %arg11[%swap3A_121] {strides = array<i32>} : memref<64xf32, #tpu.memory_space<vmem>>, vector<16xf32>,
    %swap3A_123 = vector.shape_cast %swap3A_122 : vector<16xf32> to vector<16xf32>
    %swap3A_124 = vector.shape_cast %scan3A_116#1 : vector<16xf32> to vector<16xf32>
    tpu.vector_store %arg11[%swap3A_121], %swap3A_124 {strides = array<i32>} : memref<64xf32, #tpu.memory_space<vmem>>, vector<16xf32>,
    %swap3A_125 = arith.constant 32 : index
    %swap3A_126 = tpu.vector_load %arg11[%swap3A_125] {strides = array<i32>} : memref<64xf32, #tpu.memory_space<vmem>>, vector<16xf32>,
    %swap3A_127 = vector.shape_cast %swap3A_126 : vector<16xf32> to vector<16xf32>
    %swap3A_128 = vector.shape_cast %scan3A_116#2 : vector<16xf32> to vector<16xf32>
    tpu.vector_store %arg11[%swap3A_125], %swap3A_128 {strides = array<i32>} : memref<64xf32, #tpu.memory_space<vmem>>, vector<16xf32>,
    %swap3A_129 = arith.constant 48 : index
    %swap3A_130 = tpu.vector_load %arg11[%swap3A_129] {strides = array<i32>} : memref<64xf32, #tpu.memory_space<vmem>>, vector<16xf32>,
    %swap3A_131 = vector.shape_cast %swap3A_130 : vector<16xf32> to vector<16xf32>
    %swap3A_132 = vector.shape_cast %scan3A_116#3 : vector<16xf32> to vector<16xf32>
    tpu.vector_store %arg11[%swap3A_129], %swap3A_132 {strides = array<i32>} : memref<64xf32, #tpu.memory_space<vmem>>, vector<16xf32>,
    %mul3A_133 = arith.constant 64 : i32
    %mul3A_134 = arith.muli %add3A, %mul3A_133 : i32
    "tpu.region"() ({
      %run_scoped3A = tpu.sem_alloc : memref<!tpu.dma_semaphore, #tpu.memory_space<semaphore_mem>>
      %dma_start3A_135 = tpu.memref_slice %arg5[%mul3A_134] : memref<2048xf32, #tpu.memory_space<hbm>> -> memref<64xf32, #tpu.memory_space<hbm>>
      %dma_start3A_136 = tpu.memref_slice %arg5[%mul3A_134] : memref<2048xf32, #tpu.memory_space<hbm>> -> memref<64xf32, #tpu.memory_space<hbm>>
      tpu.enqueue_dma source(%arg11 : memref<64xf32, #tpu.memory_space<vmem>>) target(%dma_start3A_136 : memref<64xf32, #tpu.memory_space<hbm>>) target_semaphore(%run_scoped3A : memref<!tpu.dma_semaphore, #tpu.memory_space<semaphore_mem>>)
      %dma_wait3A_137 = tpu.memref_slice %arg5[%mul3A_134] : memref<2048xf32, #tpu.memory_space<hbm>> -> memref<64xf32, #tpu.memory_space<hbm>>
      %dma_wait3A_138 = tpu.memref_slice %arg5[%mul3A_134] : memref<2048xf32, #tpu.memory_space<hbm>> -> memref<64xf32, #tpu.memory_space<hbm>>
      tpu.wait_dma2 semaphore(%run_scoped3A : memref<!tpu.dma_semaphore, #tpu.memory_space<semaphore_mem>>) src(%arg11 : memref<64xf32, #tpu.memory_space<vmem>>) dst(%dma_wait3A_138 : memref<64xf32, #tpu.memory_space<hbm>>)
      tpu.yield
    }) : () -> ()
    return
  }
}

module attributes {stable_mosaic.version = 14 : i64} {
  func.func @body(%arg0: i32, %arg1: memref<2048x64xf32, #tpu.memory_space<vmem>>, %arg2: memref<32x64xf32, #tpu.memory_space<vmem>>, %arg3: memref<64x64xf32, #tpu.memory_space<vmem>>, %arg4: memref<1x64xf32, #tpu.memory_space<vmem>>, %arg5: memref<64x100xf32, #tpu.memory_space<vmem>>, %arg6: memref<1x100xf32, #tpu.memory_space<vmem>>, %arg7: memref<2048x64xf32, #tpu.memory_space<vmem>>, %arg8: memref<2048x100xf32, #tpu.memory_space<vmem>>) attributes {dimension_semantics = [#tpu.dimension_semantics<arbitrary>], iteration_bounds = array<i64: 8>, scalar_prefetch = 0 : i64, scratch_operands = 0 : i64, tpu.core_type = #tpu.core_type<tc>, window_params = [{transform_indices = @transform_0, window_bounds = array<i64: 2048, 64>}, {pipeline_mode = #tpu.pipeline_mode<synchronous>, transform_indices = @transform_1, window_bounds = array<i64: 32, 64>}, {pipeline_mode = #tpu.pipeline_mode<synchronous>, transform_indices = @transform_2, window_bounds = array<i64: 64, 64>}, {pipeline_mode = #tpu.pipeline_mode<synchronous>, transform_indices = @transform_3, window_bounds = array<i64: 1, 64>}, {pipeline_mode = #tpu.pipeline_mode<synchronous>, transform_indices = @transform_4, window_bounds = array<i64: 64, 100>}, {pipeline_mode = #tpu.pipeline_mode<synchronous>, transform_indices = @transform_5, window_bounds = array<i64: 1, 100>}, {transform_indices = @transform_6, window_bounds = array<i64: 2048, 64>}, {transform_indices = @transform_7, window_bounds = array<i64: 2048, 100>}]} {
    %get3A = arith.constant 0 : index
    %get3A_0 = arith.constant 0 : index
    %get3A_1 = vector.load %arg1[%get3A, %get3A_0] : memref<2048x64xf32, #tpu.memory_space<vmem>>, vector<2048x64xf32>
    %get3A_2 = arith.constant 0 : index
    %get3A_3 = arith.constant 0 : index
    %get3A_4 = vector.load %arg2[%get3A_2, %get3A_3] : memref<32x64xf32, #tpu.memory_space<vmem>>, vector<32x64xf32>
    %reduce_sum3A = arith.constant dense<0.000000e+00> : vector<64xf32>
    %reduce_sum3A_5 = vector.multi_reduction <add>, %get3A_4, %reduce_sum3A [0] : vector<32x64xf32> to vector<64xf32>
    %broadcast_in_dim3A = vector.shape_cast %reduce_sum3A_5 : vector<64xf32> to vector<1x64xf32>
    %eq3A = arith.constant 7 : i32
    %eq3A_6 = arith.cmpi eq, %arg0, %eq3A : i32
    %iota3A = tpu.iota {dimensions = array<i32: 0>} : vector<2048x1xi32>
    %eq3A_7 = arith.constant 2047 : i32
    %eq3A_8 = vector.broadcast %eq3A_7 : i32 to vector<2048x1xi32>
    %eq3A_9 = arith.cmpi eq, %iota3A, %eq3A_8 : vector<2048x1xi32>
    %and3A = vector.broadcast %eq3A_6 : i1 to vector<2048x1xi1>
    %and3A_10 = arith.andi %eq3A_9, %and3A : vector<2048x1xi1>
    %add3A = vector.broadcast %broadcast_in_dim3A : vector<1x64xf32> to vector<2048x64xf32>
    %add3A_11 = arith.addf %get3A_1, %add3A : vector<2048x64xf32>
    %mul3A = arith.constant 1.24561393E-6 : f32
    %mul3A_12 = vector.broadcast %mul3A : f32 to vector<2048x64xf32>
    %mul3A_13 = arith.mulf %add3A_11, %mul3A_12 : vector<2048x64xf32>
    %broadcast_in_dim3A_14 = vector.shape_cast %and3A_10 : vector<2048x1xi1> to vector<2048x1xi1>
    %broadcast_in_dim3A_15 = vector.broadcast %broadcast_in_dim3A_14 : vector<2048x1xi1> to vector<2048x64xi1>
    %select_n3A = arith.select %broadcast_in_dim3A_15, %mul3A_13, %get3A_1 : vector<2048x64xi1>, vector<2048x64xf32>
    %get3A_16 = arith.constant 0 : index
    %get3A_17 = arith.constant 0 : index
    %get3A_18 = vector.load %arg3[%get3A_16, %get3A_17] : memref<64x64xf32, #tpu.memory_space<vmem>>, vector<64x64xf32>
    %dot_general3A = arith.constant dense<0.000000e+00> : vector<2048x64xf32>
    %dot_general3A_19 = tpu.matmul %select_n3A, %get3A_18, %dot_general3A {dimension_numbers = #tpu.dot_dimension_numbers<[1], [0], [0], [1], [0, 0, 1, 1], [], []>, transpose_lhs_hint = false} : vector<2048x64xf32>, vector<64x64xf32>, vector<2048x64xf32> -> vector<2048x64xf32>
    %get3A_20 = arith.constant 0 : index
    %get3A_21 = arith.constant 0 : index
    %get3A_22 = vector.load %arg4[%get3A_20, %get3A_21] : memref<1x64xf32, #tpu.memory_space<vmem>>, vector<1x64xf32>
    %add3A_23 = vector.broadcast %get3A_22 : vector<1x64xf32> to vector<2048x64xf32>
    %add3A_24 = arith.addf %dot_general3A_19, %add3A_23 : vector<2048x64xf32>
    %max3A = arith.constant 0.000000e+00 : f32
    %max3A_25 = vector.broadcast %max3A : f32 to vector<2048x64xf32>
    %max3A_26 = arith.maximumf %add3A_24, %max3A_25 : vector<2048x64xf32>
    %swap3A = arith.constant 0 : index
    %swap3A_27 = arith.constant 0 : index
    %swap3A_28 = vector.load %arg7[%swap3A, %swap3A_27] : memref<2048x64xf32, #tpu.memory_space<vmem>>, vector<2048x64xf32>
    tpu.vector_store %arg7[%swap3A, %swap3A_27], %max3A_26 {strides = array<i32>} : memref<2048x64xf32, #tpu.memory_space<vmem>>, vector<2048x64xf32>,
    %get3A_29 = arith.constant 0 : index
    %get3A_30 = arith.constant 0 : index
    %get3A_31 = vector.load %arg5[%get3A_29, %get3A_30] : memref<64x100xf32, #tpu.memory_space<vmem>>, vector<64x100xf32>
    %dot_general3A_32 = arith.constant dense<0.000000e+00> : vector<2048x100xf32>
    %dot_general3A_33 = tpu.matmul %max3A_26, %get3A_31, %dot_general3A_32 {dimension_numbers = #tpu.dot_dimension_numbers<[1], [0], [0], [1], [0, 0, 1, 1], [], []>, transpose_lhs_hint = false} : vector<2048x64xf32>, vector<64x100xf32>, vector<2048x100xf32> -> vector<2048x100xf32>
    %get3A_34 = arith.constant 0 : index
    %get3A_35 = arith.constant 0 : index
    %get3A_36 = vector.load %arg6[%get3A_34, %get3A_35] : memref<1x100xf32, #tpu.memory_space<vmem>>, vector<1x100xf32>
    %add3A_37 = vector.broadcast %get3A_36 : vector<1x100xf32> to vector<2048x100xf32>
    %add3A_38 = arith.addf %dot_general3A_33, %add3A_37 : vector<2048x100xf32>
    %swap3A_39 = arith.constant 0 : index
    %swap3A_40 = arith.constant 0 : index
    %swap3A_41 = vector.load %arg8[%swap3A_39, %swap3A_40] : memref<2048x100xf32, #tpu.memory_space<vmem>>, vector<2048x100xf32>
    tpu.vector_store %arg8[%swap3A_39, %swap3A_40], %add3A_38 {strides = array<i32>} : memref<2048x100xf32, #tpu.memory_space<vmem>>, vector<2048x100xf32>,
    return
  }
  func.func @transform_0(%arg0: i32) -> (i32, i32) {
    %c0_i32 = arith.constant 0 : i32
    %c0_i32_0 = arith.constant 0 : i32
    return %arg0, %c0_i32 : i32, i32
  }
  func.func @transform_1(%arg0: i32) -> (i32, i32) {
    %c0_i32 = arith.constant 0 : i32
    %c0_i32_0 = arith.constant 0 : i32
    %c0_i32_1 = arith.constant 0 : i32
    return %c0_i32, %c0_i32_0 : i32, i32
  }
  func.func @transform_2(%arg0: i32) -> (i32, i32) {
    %c0_i32 = arith.constant 0 : i32
    %c0_i32_0 = arith.constant 0 : i32
    %c0_i32_1 = arith.constant 0 : i32
    return %c0_i32, %c0_i32_0 : i32, i32
  }
  func.func @transform_3(%arg0: i32) -> (i32, i32) {
    %c0_i32 = arith.constant 0 : i32
    %c0_i32_0 = arith.constant 0 : i32
    %c0_i32_1 = arith.constant 0 : i32
    return %c0_i32, %c0_i32_0 : i32, i32
  }
  func.func @transform_4(%arg0: i32) -> (i32, i32) {
    %c0_i32 = arith.constant 0 : i32
    %c0_i32_0 = arith.constant 0 : i32
    %c0_i32_1 = arith.constant 0 : i32
    return %c0_i32, %c0_i32_0 : i32, i32
  }
  func.func @transform_5(%arg0: i32) -> (i32, i32) {
    %c0_i32 = arith.constant 0 : i32
    %c0_i32_0 = arith.constant 0 : i32
    %c0_i32_1 = arith.constant 0 : i32
    return %c0_i32, %c0_i32_0 : i32, i32
  }
  func.func @transform_6(%arg0: i32) -> (i32, i32) {
    %c0_i32 = arith.constant 0 : i32
    %c0_i32_0 = arith.constant 0 : i32
    return %arg0, %c0_i32 : i32, i32
  }
  func.func @transform_7(%arg0: i32) -> (i32, i32) {
    %c0_i32 = arith.constant 0 : i32
    %c0_i32_0 = arith.constant 0 : i32
    return %arg0, %c0_i32 : i32, i32
  }
}

</mosaic_0001>

<sc_bundles>
// kernel: kernel.4.cloned.1.call-start
scs
__scs_entry_jumppad:
0x0: {  	(pc) =	sbr.rel $0x88, $3  }
0x1: {  	(tag) =	ssettag $0x0;
	lr =	simm.s32 $0x1  }
0x2: {  	[smem:$0x3F9B] =	sst lr;
	_ =	strace $0xD0000000  }
0x3: {  	_ = 	snop  }
0x4: {  	_ = 	snop  }
0x5: {  	_ = 	snop  }
0x6: {  	_ = 	snop  }
0x7: {  	_ = 	snop  }
__scs_overlays_trampoline_lowered:
0x8: {  	[smem:$0x3FAA] =	sst s0  }
0x9: {  	[smem:$0x3FAB] =	sst s1  }
0xa: {  	[smem:$0x3FAC] =	sst s2  }
0xb: {  	[smem:$0x3FAD] =	sst s3  }
0xc: {  	[smem:$0x3FAE] =	sst s4  }
0xd: {  	[smem:$0x3FAF] =	sst s5  }
0xe: {  	[smem:$0x3FB0] =	sst s6  }
0xf: {  	[smem:$0x3FB1] =	sst s7  }
0x10: {  	[smem:$0x3FB2] =	sst s8  }
0x11: {  	[smem:$0x3FB3] =	sst s9;
	s0 =	simm.s32 @!p0 $0x0  }
0x12: {  	s1 =	sld [smem:$0x3F99];
	s0 =	simm.s32 @p0 $0x1  }
0x13: {  	[smem:$0x3FB4] =	sst s0;
	s0 =	simm.s32 @!p1 $0x0  }
0x14: {  	s2 =	sld [smem:$0x3F98];
	s0 =	simm.s32 @p1 $0x1  }
0x15: {  	[smem:$0x3FB5] =	sst s0;
	s0 =	simm.s32 @!p2 $0x0  }
0x16: {  	s3 =	sld [smem:$0x3FDB];
	s0 =	simm.s32 @p2 $0x1  }
0x17: {  	s4 =	simm.s32 $0x1BF5;
	[smem:$0x3FB7] =	sst s0  }
0x18: {  	s0 =	sld [smem:$0x3F9A];
	_ =	swait.ge [sflag:s4], $0x0  }
0x19: {  	s7 =	sld [smem:$0x3F9B]  }
0x1a: {  	s8 =	sadd.s32 $0xFFFFE003, lr  }
0x1b: {  	s9 =	sadd.s32 $0xFFFFFEF7, lr;
	s5 =	simm.s32 $0xFFFFFFFF;
	p2 =	slt.u32 s8, $0xFFFFF086  }
0x1c: {  	p1 =	slt.u32 s9, $0xF7A;
	s5 =	simm.s32 @!p2 $0x0  }
0x1d: {  	s5 =	simm.s32 @p1 $0x1;
	p0 =	seq.s32 s7, s2  }
0x1e: {  	s7 =	smul.u32 @!p0 $0xF7A, s2;
	p2 =	seq.s32 @!p0 s5, $0x0  }
0x1f: {  	s9 =	smul.u32 $0xF7A, s1;
	s8 =	simm.s32 @!p0 $0x1BF5;
	p2 =	por !p2, p0  }
0x20: {  	[sflag:s8] =	ssyncset.s32 @!p0 $0xFFFFF086;
	s6 =	sadd.s32 @!p0 s3, s7;
	s7 =	simm.s32 @!p0 $0x108  }
0x21: {  	s3 =	sadd.s32 s3, s9;
	s6 =	sadd.s32 @!p0 $0x88, s6;
	s7 =	simm.s32 @p2 $0x1082  }
0x22: {  	[simem:s7], [sflag:s8] =	dma.local @!p0 [hbm:s6], $0xF7A  }
0x23: {  	s9 =	sor.u32 $0xD0000000, s2;
	s6 =	simm.s32 $0x108;
	_ =	swait.ge @!p0 [sflag:s8], $0x0  }
0x24: {  	s3 =	sadd.s32 $0x88, s3;
	s6 =	simm.s32 @!p1 $0x1082;
	[sflag:s4] =	ssyncset.s32 $0xFFFFF086  }
0x25: {  	[simem:s6], [sflag:s4] =	dma.local [hbm:s3], $0xF7A  }
0x26: {  	[smem:$0x3F9B] =	sst s1;
	(tag) =	ssettag s2;
	_ =	strace s9  }
0x27: {  	s1 =	sld [smem:$0x3FAB]  }
0x28: {  	s2 =	sld [smem:$0x3FAC]  }
0x29: {  	s4 =	sld [smem:$0x3FAE]  }
0x2a: {  	p0 =	seq.s32 s5, $0x0;
	s5 =	sld [smem:$0x3FAF]  }
0x2b: {  	s6 =	sld [smem:$0x3FB0]  }
0x2c: {  	s7 =	sld [smem:$0x3FB1]  }
0x2d: {  	s3 =	simm.s32 $0x108;
	s8 =	sld [smem:$0x3FB2]  }
0x2e: {  	s3 =	simm.s32 @!p0 $0x1082;
	s9 =	sld [smem:$0x3FB3]  }
0x2f: {  	lr =	sadd.s32 s0, s3;
	s0 =	sld [smem:$0x3FAA]  }
0x30: {  	s3 =	sld [smem:$0x3FAD]  }
0x31: {  	[smem:$0x3FB6] =	sst s10  }
0x32: {  	s10 =	sld [smem:$0x3FB4];
	_ =	sdelay $0x3  }
0x33: {  	p0 =	seq.s32 s10, $0x1;
	s10 =	sld [smem:$0x3FB6];
	_ =	sdelay $0x3  }
0x34: {  	[smem:$0x3FB6] =	sst s10  }
0x35: {  	s10 =	sld [smem:$0x3FB5];
	_ =	sdelay $0x3  }
0x36: {  	p1 =	seq.s32 s10, $0x1;
	s10 =	sld [smem:$0x3FB6];
	_ =	sdelay $0x3  }
0x37: {  	[smem:$0x3FB6] =	sst s10  }
0x38: {  	s10 =	sld [smem:$0x3FB7]  }
0x39: {  	_ = 	snop;
	(pc) =	sbr.ind lr, $3  }
0x3a: {  	_ = 	snop  }
0x3b: {  	_ = 	snop  }
0x3c: {  	p2 =	seq.s32 s10, $0x1;
	s10 =	sld [smem:$0x3FB6]  }
0x3d: {  	_ =	shalt  }
0x3e: {  	_ =	shalt  }
0x3f: {  	_ =	shalt  }
0x40: {  	_ =	shalt  }
0x41: {  	_ =	shalt  }
0x42: {  	_ =	shalt  }
0x43: {  	_ =	shalt  }
0x44: {  	_ =	shalt  }
0x45: {  	_ =	shalt  }
0x46: {  	_ =	shalt  }
0x47: {  	_ =	shalt  }
0x48: {  	_ =	shalt  }
0x49: {  	_ =	shalt  }
0x4a: {  	_ =	shalt  }
0x4b: {  	_ =	shalt  }
0x4c: {  	_ =	shalt  }
0x4d: {  	_ =	shalt  }
0x4e: {  	_ =	shalt  }
0x4f: {  	_ =	shalt  }
0x50: {  	_ =	shalt  }
0x51: {  	_ =	shalt  }
0x52: {  	_ =	shalt  }
0x53: {  	_ =	shalt  }
0x54: {  	_ =	shalt  }
0x55: {  	_ =	shalt  }
0x56: {  	_ =	shalt  }
0x57: {  	_ =	shalt  }
0x58: {  	_ =	shalt  }
0x59: {  	_ =	shalt  }
0x5a: {  	_ =	shalt  }
0x5b: {  	_ =	shalt  }
0x5c: {  	_ =	shalt  }
0x5d: {  	_ =	shalt  }
0x5e: {  	_ =	shalt  }
0x5f: {  	_ =	shalt  }
0x60: {  	_ =	shalt  }
0x61: {  	_ =	shalt  }
0x62: {  	_ =	shalt  }
0x63: {  	_ =	shalt  }
0x64: {  	_ =	shalt  }
0x65: {  	_ =	shalt  }
0x66: {  	_ =	shalt  }
0x67: {  	_ =	shalt  }
0x68: {  	_ =	shalt  }
0x69: {  	_ =	shalt  }
0x6a: {  	_ =	shalt  }
0x6b: {  	_ =	shalt  }
0x6c: {  	_ =	shalt  }
0x6d: {  	_ =	shalt  }
0x6e: {  	_ =	shalt  }
0x6f: {  	_ =	shalt  }
0x70: {  	_ =	shalt  }
0x71: {  	_ =	shalt  }
0x72: {  	_ =	shalt  }
0x73: {  	_ =	shalt  }
0x74: {  	_ =	shalt  }
0x75: {  	_ =	shalt  }
0x76: {  	_ =	shalt  }
0x77: {  	_ =	shalt  }
0x78: {  	_ =	shalt  }
0x79: {  	_ =	shalt  }
0x7a: {  	_ =	shalt  }
0x7b: {  	_ =	shalt  }
0x7c: {  	_ =	shalt  }
0x7d: {  	_ =	shalt  }
0x7e: {  	_ =	shalt  }
0x7f: {  	_ =	shalt  }
0x80: {  	_ =	shalt  }
0x81: {  	_ =	shalt  }
0x82: {  	_ =	shalt  }
0x83: {  	_ =	shalt  }
0x84: {  	_ =	shalt  }
0x85: {  	_ =	shalt  }
0x86: {  	_ =	shalt  }
0x87: {  	_ =	shalt  }
.Lfunc_end0:
.L_simem_size_0:
called_computation_lowered:
.L_overlay_start_0:
0x88: {  	s2 =	sld [smem:$0x3FD9]  }
0x89: {  	s3 =	sld [smem:$0x3FFE];
	_ =	sdelay $0x1  }
0x8a: {  	s1 =	srdreg.scid  }
0x8b: {  	s0 =	sand.u32 $0x1, s1  }
0x8c: {  	s14 =	sshll.u32 s0, $0xA;
	s2 =	sadd.s32 s3, s2  }
0x8d: {  	s2 =	sadd.s32 s2, s14  }
0x8e: {  	[smem:$0x3FC2] =	sst s2  }
0x8f: {  	_ = 	snop  }
0x90: {  	s2 =	sld [smem:$0x3FD0];
	_ =	sdelay $0x2  }
0x91: {  	s4 =	simm.s32 $0xA;
	s5 =	simm.s32 $0x10;
	s15 =	sld [smem:$0x3FC9]  }
0x92: {  	[smem:s5], [sflag:s4] =	dma.local [hbm:s2], $0x1  }
0x93: {  	_ =	swait.eq [sflag:s4], $0x1  }
0x94: {  	[sflag:s4] =	ssyncset.done $0x0  }
0x95: {  	s16 =	sld [smem:$0x10];
	[sflag:s4] =	ssyncadd.s32 $0xFFFFFFFF  }
0x96: {  	s17 =	sld [smem:$0x11];
	(tm) =	ssettm $0x1  }
0x97: {  	s18 =	sld [smem:$0x3FFB];
	_ =	sdelay $0x3  }
0x98: {  	_ =	strace s18  }
0x99: {  	s5 =	sld [smem:$0x3FFC];
	_ =	sdelay $0x3  }
0x9a: {  	_ =	strace s5  }
0x9b: {  	s5 =	sld [smem:$0x3FFD];
	_ =	sdelay $0x3  }
0x9c: {  	_ =	strace s5  }
0x9d: {  	_ =	strace $0x8FFFFFFF  }
0x9e: {  	s19 =	sld [smem:$0x3FDB];
	_ =	sdelay $0x1  }
0x9f: {  	s6 =	simm.s32 $_scs_section_size  }
0xa0: {  	s7 =	simm.s32 $_size__tile_overlayer_lowered;
	s8 =	simm.s32 $_tile_overlayer_lowered  }
0xa1: {  	s22 =	simm.s32 $0x1BFF;
	s21 =	sshll.u32 s8, $0x1;
	s5 =	sadd.s32 s6, s19  }
0xa2: {  	s9 =	simm.s32 $0x0;
	s20 =	sshll.u32 s7, $0x1;
	s7 =	sadd.s32 s21, s5  }
0xa3: {  	[timem:s9], [sflag:s22] =	dma.local [hbm:s7], s20  }
0xa4: {  	_ =	swait.ge [sflag:s22], s20  }
0xa5: {  	s6 =	ssub.s32 $0x0, s20;
	[sflag:s22] =	ssyncset.done $0x0  }
0xa6: {  	[sflag:s22] =	ssyncadd.s32 s6;
	_ =	sdelay $0x1  }
0xa7: {  	s23 =	simm.s32 $0x1B8B  }
0xa8: {  	_ =	swait.ge [sflag:s23], $0x1  }
0xa9: {  	[sflag:s23] =	ssyncset.done $0x0  }
0xaa: {  	s25 =	simm.s32 $0x1B8E;
	s24 =	sld [smem:$0x3FFE];
	[sflag:s23] =	ssyncadd.s32 $0xFFFFFFFF  }
0xab: {  	s26 =	simm.s32 $execute0_lowered;
	[smem:$0x3FD2] =	sst s25  }
0xac: {  	s7 =	sshll.u32 s26, $0x1;
	_ =	strace $0x80000046;
	[dreg:$0x1] =	wrdreg $0xFFFFFFFF  }
0xad: {  	s28 =	simm.s32 $_size_execute0_lowered;
	s5 =	sadd.s32 s5, s7;
	[dreg:$0x0] =	wrdreg $0x0  }
0xae: {  	s7 =	sshll.u32 s28, $0x1;
	[dreg:$0x2] =	wrdreg s5  }
0xaf: {  	[dreg:$0x3] =	wrdreg s7  }
0xb0: {  	[dreg:$0x4] =	wrdreg $0xC0  }
0xb1: {  	_ =	task [dreg:s9], $0x5FFFF  }
0xb2: {  	[dreg:$0x1] =	wrdreg $0xFFFFFFFF  }
0xb3: {  	[dreg:$0x0] =	wrdreg $0x60  }
0xb4: {  	[dreg:$0x2] =	wrdreg s15  }
0xb5: {  	[dreg:$0x3] =	wrdreg s24  }
0xb6: {  	[dreg:$0x4] =	wrdreg s16  }
0xb7: {  	[dreg:$0x5] =	wrdreg s17  }
0xb8: {  	[dreg:$0x6] =	wrdreg $0x9  }
0xb9: {  	_ =	task.clear_ibuf [dreg:s9], $0x7FFFF;
	_ =	strace $0x90000046  }
0xba: {  	s29 =	simm.s32 $0x9;
	_ =	strace $0x80000048  }
0xbb: {  	_ =	swait.ge [sflag:s29], $0x1  }
0xbc: {  	[sflag:s29] =	ssyncadd.s32 $0xFFFFFFFF  }
0xbd: {  	_ =	strace $0x90000048  }
0xbe: {  	_ =	sfence  }
0xbf: {  	s30 =	sld [smem:$0x0];
	_ =	sdelay $0x2  }
0xc0: {  	s31 =	sshll.u32 s1, $0xD;
	s1 =	sshrl.u32 s1, $0x2  }
0xc1: {  	s3 =	sand.u32 $0x4000, s31;
	s1 =	sadd.s32 s1, s30  }
0xc2: {  	s0 =	sor.u32 s3, s0;
	s1 =	sshll.u32 s1, $0x11  }
0xc3: {  	s0 =	sor.u32 s1, s0  }
0xc4: {  	s0 =	sadd.s32 $0x8F2B, s0  }
0xc5: {  	[sflag:s0] =	ssyncadd.remote.s32 $0x1  }
0xc6: {  	_ =	sfence.sel $0xFFFF  }
0xc7: {  	[dreg:$0x0] =	wrdreg $0xFFFFFFFF;
	(pc) =	sbr.abs _section_cstart, $3  }
0xc8: {  	[dreg:$0x1] =	wrdreg $0xFFFFFFFF  }
0xc9: {  	_ =	task.clear_ibuf [dreg:s9], $0x2FFFF;
	_ =	strace $0x9FFFFFFF  }
0xca: {  	(tm) =	ssettm $0x7FFFFFFF  }
0xcb: {  	_ =	shalt  }
tec
execute0_lowered:
.L_overlay_start_1:
0x0: {  	(tag) =	ssettag $0x1  }
0x1: {  	s5 =	rddreg [dreg:$0x0]  }
0x2: {  	s3 =	rddreg [dreg:$0x1]  }
0x3: {  	s6 =	rddreg [dreg:$0x2]  }
0x4: {  	s7 =	rddreg [dreg:$0x3]  }
0x5: {  	s0 =	rddreg [dreg:$0x4];
	s4 =	srdreg.scid  }
0x6: {  	s1 =	stileid.u32;
	s2 =	simm.s32 $0x0;
	s12 =	simm.s32 $0x6400  }
0x7: {  	s13 =	simm.s32 $0x8400;
	s14 =	simm.s32 $0x100;
	s15 =	simm.s32 $0xA400  }
0x8: {  	s16 =	simm.s32 $0x180;
	s17 =	simm.s32 $0xC400;
	s18 =	simm.s32 $0xE400  }
0x9: {  	s19 =	simm.s32 $0x280;
	s20 =	simm.s32 $0x10400;
	s21 =	simm.s32 $0x1  }
0xa: {  	s22 =	simm.s32 $0x2;
	s23 =	simm.s32 $0x3;
	s24 =	simm.s32 $0x12400  }
0xb: {  	s25 =	simm.s32 $0x0;
	s4 =	sand.u32 $0x1, s4;
	s8 =	sshll.u32 s1, $0x1  }
0xc: {  	[smem:$0x7FF] =	sst s2;
	s3 =	sadd.s32 $0xF43800, s3;
	s8 =	sor.u32 s4, s8  }
0xd: {  	_ =	strace $0x80000047;
	s4 =	ssub.s32 $0x2, s4;
	s9 =	smul.u32 $0x6200, s8  }
0xe: {  	s10 =	sshrl.u32 s4, $0x1;
	s11 =	sshll.u32 s8, $0x6;
	s31 =	sshll.u32 s8, $0xC  }
0xf: {  	s8 =	sshll.u32 s8, $0x3;
	s10 =	ssub.s32 s4, s10;
	s4 =	sadd.s32 s5, s11  }
0x10: {  	s6 =	sadd.s32 s6, s31;
	s7 =	sadd.s32 s7, s8;
	s9 =	sshrl.u32 s9, $0x3  }
0x11: {  	s11 =	simm.s32 $0x80;
	s8 =	smax.u32 s10, $0x1;
	s5 =	sadd.s32 s5, s9  }
0x12: {  	s10 =	simm.s32 $0x200;
	s9 =	simm.s32 $0x4;
	s5 =	sadd.s32 $0x800, s5  }
.LBB2_1:
0x13: {  	[tilespmem:s2], [sflag:$0x4] =	stream.linear.gather [hbm4b:s4+s2], $0x200, $0x38;
	[tilespmem:$0x12440] =	vst v63  }
0x14: {  	_ =	swait.ge [sflag:s9], $0x200  }
0x15: {  	[sflag:s9] =	ssyncset.done $0x0  }
0x16: {  	[sflag:s9] =	ssyncadd.s32 $0xFFFFFE00  }
0x17: {  	[tilespmem:s10], [sflag:$0x4] =	stream.linear.gather [hbm4b:s5+s2], $0x6200, $0x38;
	[tilespmem:$0x12440] =	vst v63  }
0x18: {  	_ =	swait.ge [sflag:s9], $0x6200  }
0x19: {  	[sflag:s9] =	ssyncset.done $0x0  }
0x1a: {  	[sflag:s9] =	ssyncadd.s32 $0xFFFF9E00  }
0x1b: {  	[tilespmem:s12], [sflag:$0x1] =	stream.indirect.gather [hbm4b:s3+s11], $0x40, s2, s11, $0xb8;
	[tilespmem:$0x12440] =	vst v63  }
0x1c: {  	_ = 	snop  }
0x1d: {  	[tilespmem:s13], [sflag:$0x1] =	stream.indirect.gather [hbm4b:s3+s11], $0x40, s11, s11, $0xb8;
	[tilespmem:$0x12440] =	vst v63  }
0x1e: {  	_ = 	snop  }
0x1f: {  	[tilespmem:s15], [sflag:$0x1] =	stream.indirect.gather [hbm4b:s3+s11], $0x40, s14, s11, $0xb8;
	[tilespmem:$0x12440] =	vst v63  }
0x20: {  	_ = 	snop  }
0x21: {  	[tilespmem:s17], [sflag:$0x1] =	stream.indirect.gather [hbm4b:s3+s11], $0x40, s16, s11, $0xb8;
	[tilespmem:$0x12440] =	vst v63  }
0x22: {  	_ = 	snop  }
0x23: {  	[tilespmem:s18], [sflag:$0x2] =	stream.indirect.gather [hbm4b:s3+s11], $0x40, s10, s11, $0xb8;
	[tilespmem:$0x12440] =	vst v63  }
0x24: {  	_ = 	snop  }
0x25: {  	[tilespmem:s20], [sflag:$0x3] =	stream.indirect.gather [hbm4b:s3+s11], $0x40, s19, s11, $0xb8;
	[tilespmem:$0x12440] =	vst v63  }
0x26: {  	_ =	swait.ge [sflag:s21], $0x2000  }
0x27: {  	[sflag:s21] =	ssyncset.done $0x0  }
0x28: {  	[sflag:s21] =	ssyncadd.s32 $0xFFFFE000  }
0x29: {  	_ =	swait.ge [sflag:s21], $0x2000  }
0x2a: {  	[sflag:s21] =	ssyncset.done $0x0  }
0x2b: {  	[sflag:s21] =	ssyncadd.s32 $0xFFFFE000  }
0x2c: {  	_ =	swait.ge [sflag:s21], $0x2000  }
0x2d: {  	[sflag:s21] =	ssyncset.done $0x0  }
0x2e: {  	[sflag:s21] =	ssyncadd.s32 $0xFFFFE000  }
0x2f: {  	_ =	swait.ge [sflag:s21], $0x2000  }
0x30: {  	[sflag:s21] =	ssyncset.done $0x0  }
0x31: {  	[sflag:s21] =	ssyncadd.s32 $0xFFFFE000  }
0x32: {  	[hbm4b:s6+s2] =	stream.linear.scatter [tilespmem:s12], [sflag:$0x4], $0x8000, $0x38;
	[tilespmem:$0x12440] =	vst v63  }
0x33: {  	_ =	swait.ge [sflag:s9], $0x8000  }
0x34: {  	v4 =	vimm.f32 $0.0e+00;
	[sflag:s9] =	ssyncset.done $0x0  }
0x35: {  	v5 =	vimm.f32 $0.0e+00;
	v6 =	vimm.f32 $0.0e+00;
	v7 =	vimm.f32 $0.0e+00;
	s26 =	simm.s32 $0x0;
	[sflag:s9] =	ssyncadd.s32 $0xFFFF8000  }
.LBB2_2:
0x36: {  	_ =	swait.ge [sflag:s22], $0x2000  }
0x37: {  	[sflag:s22] =	ssyncset.done $0x0  }
0x38: {  	s29 =	simm.s32 $0xE500;
	[sflag:s22] =	ssyncadd.s32 $0xFFFFE000  }
0x39: {  	v0 =	vld [tilespmem:s29+$0xC0]  }
0x3a: {  	v1 =	vld [tilespmem:s29+$0xD0]  }
0x3b: {  	v2 =	vld [tilespmem:s29+$0x80]  }
0x3c: {  	v3 =	vld [tilespmem:s29+$0x90]  }
0x3d: {  	v13 =	vld [tilespmem:s29+$0x40]  }
0x3e: {  	v17 =	vld [tilespmem:s29+$0x50]  }
0x3f: {  	v10 =	vld [tilespmem:s29+$0x0]  }
0x40: {  	v12 =	vld [tilespmem:s29+$0x10]  }
0x41: {  	v9 =	vld [tilespmem:s29+$0xFFFFFFC0]  }
0x42: {  	v11 =	vld [tilespmem:s29+$0xFFFFFFD0]  }
0x43: {  	v8 =	vld [tilespmem:s29+$0xFFFFFF80]  }
0x44: {  	v14 =	vld [tilespmem:s29+$0xFFFFFF90]  }
0x45: {  	v15 =	vld [tilespmem:s29+$0xFFFFFF40]  }
0x46: {  	v16 =	vld [tilespmem:s29+$0xFFFFFF50]  }
0x47: {  	v18 =	vld [tilespmem:s29+$0xFFFFFF00]  }
0x48: {  	v19 =	vld [tilespmem:s29+$0xFFFFFF10]  }
0x49: {  	v20 =	vld [tilespmem:s29+$0xFFFFFF20]  }
0x4a: {  	v21 =	vld [tilespmem:s29+$0xFFFFFF30]  }
0x4b: {  	v22 =	vld [tilespmem:s29+$0xFFFFFF60]  }
0x4c: {  	v23 =	vld [tilespmem:s29+$0xFFFFFF70]  }
0x4d: {  	v24 =	vld [tilespmem:s29+$0xFFFFFFA0]  }
0x4e: {  	v7 =	vadd.f32 v18, v7;
	v6 =	vadd.f32 v19, v6;
	v18 =	vld [tilespmem:s29+$0xFFFFFFB0]  }
0x4f: {  	v5 =	vadd.f32 v20, v5;
	v4 =	vadd.f32 v21, v4;
	v19 =	vld [tilespmem:s29+$0xFFFFFFE0]  }
0x50: {  	v7 =	vadd.f32 v15, v7;
	v6 =	vadd.f32 v16, v6;
	v15 =	vld [tilespmem:s29+$0xFFFFFFF0]  }
0x51: {  	v63 =	vld [tilespmem:s29+$0x30];
	v5 =	vadd.f32 v22, v5;
	v4 =	vadd.f32 v23, v4  }
0x52: {  	v16 =	vld [tilespmem:s29+$0x20];
	v7 =	vadd.f32 v8, v7;
	v6 =	vadd.f32 v14, v6  }
0x53: {  	v5 =	vadd.f32 v24, v5;
	v8 =	vld [tilespmem:s29+$0x60];
	v4 =	vadd.f32 v18, v4  }
0x54: {  	v7 =	vadd.f32 v9, v7;
	v6 =	vadd.f32 v11, v6;
	v11 =	vld [tilespmem:s29+$0x70]  }
0x55: {  	v5 =	vadd.f32 v19, v5;
	v9 =	vld [tilespmem:s29+$0xA0];
	v4 =	vadd.f32 v15, v4  }
0x56: {  	v7 =	vadd.f32 v10, v7;
	v6 =	vadd.f32 v12, v6;
	v12 =	vld [tilespmem:s29+$0xB0]  }
0x57: {  	v14 =	vadd.f32 v16, v5;
	v10 =	vld [tilespmem:s29+$0xE0];
	v15 =	vadd.f32 v63, v4  }
0x58: {  	s28 =	simm.s32 $0x0;
	v16 =	vadd.f32 v13, v7;
	v17 =	vadd.f32 v17, v6;
	v13 =	vld [tilespmem:s29+$0xF0];
	s29 =	simm.s32 $0xE700  }
.LBB2_3:
0x59: {  	v4 =	vld [tilespmem:s29+$0xC0];
	v5 =	vadd.f32 v8, v14;
	v6 =	vadd.f32 v11, v15  }
0x5a: {  	v7 =	vld [tilespmem:s29+$0xD0];
	v8 =	vadd.f32 v2, v16;
	v11 =	vadd.f32 v3, v17  }
0x5b: {  	v2 =	vld [tilespmem:s29+$0x80];
	v5 =	vadd.f32 v9, v5;
	v6 =	vadd.f32 v12, v6  }
0x5c: {  	v3 =	vld [tilespmem:s29+$0x90];
	v8 =	vadd.f32 v0, v8;
	v9 =	vadd.f32 v1, v11  }
0x5d: {  	v16 =	vld [tilespmem:s29+$0x40];
	v5 =	vadd.f32 v10, v5;
	v6 =	vadd.f32 v13, v6  }
0x5e: {  	v13 =	vld [tilespmem:s29+$0x50];
	v0 =	vmov v4  }
0x5f: {  	v4 =	vld [tilespmem:s29+$0x0];
	v1 =	vmov v7  }
0x60: {  	v7 =	vld [tilespmem:s29+$0x10]  }
0x61: {  	v10 =	vld [tilespmem:s29+$0xFFFFFFC0]  }
0x62: {  	v11 =	vld [tilespmem:s29+$0xFFFFFFD0]  }
0x63: {  	v12 =	vld [tilespmem:s29+$0xFFFFFF80]  }
0x64: {  	v14 =	vld [tilespmem:s29+$0xFFFFFF90]  }
0x65: {  	v15 =	vld [tilespmem:s29+$0xFFFFFF40]  }
0x66: {  	v17 =	vld [tilespmem:s29+$0xFFFFFF50]  }
0x67: {  	v18 =	vld [tilespmem:s29+$0xFFFFFF00]  }
0x68: {  	v19 =	vld [tilespmem:s29+$0xFFFFFF10]  }
0x69: {  	v20 =	vld [tilespmem:s29+$0xFFFFFF20]  }
0x6a: {  	s28 =	sadd.s32 $0x8, s28;
	v21 =	vld [tilespmem:s29+$0xFFFFFF30]  }
0x6b: {  	p0 =	slt.u32 s28, $0x78;
	v22 =	vld [tilespmem:s29+$0xFFFFFF60]  }
0x6c: {  	v23 =	vld [tilespmem:s29+$0xFFFFFF70]  }
0x6d: {  	v24 =	vld [tilespmem:s29+$0xFFFFFFA0]  }
0x6e: {  	v8 =	vadd.f32 v18, v8;
	v9 =	vadd.f32 v19, v9;
	v18 =	vld [tilespmem:s29+$0xFFFFFFB0]  }
0x6f: {  	v5 =	vadd.f32 v20, v5;
	v6 =	vadd.f32 v21, v6;
	v19 =	vld [tilespmem:s29+$0xFFFFFFE0]  }
0x70: {  	v8 =	vadd.f32 v15, v8;
	v9 =	vadd.f32 v17, v9;
	v15 =	vld [tilespmem:s29+$0xFFFFFFF0]  }
0x71: {  	v5 =	vadd.f32 v22, v5;
	v6 =	vadd.f32 v23, v6;
	v17 =	vld [tilespmem:s29+$0x20]  }
0x72: {  	v12 =	vadd.f32 v12, v8;
	v9 =	vadd.f32 v14, v9;
	v20 =	vld [tilespmem:s29+$0x30]  }
0x73: {  	v5 =	vadd.f32 v24, v5;
	v6 =	vadd.f32 v18, v6;
	v8 =	vld [tilespmem:s29+$0x60]  }
.Ltmp0:
0x74: {  	v10 =	vadd.f32 v10, v12;
	v12 =	vadd.f32 v11, v9;
	v11 =	vld [tilespmem:s29+$0x70];
	(pc) =	sbr.rel @p0 .LBB2_3-.Ltmp0, $4  }
0x75: {  	v5 =	vadd.f32 v19, v5;
	v6 =	vadd.f32 v15, v6;
	v9 =	vld [tilespmem:s29+$0xA0]  }
0x76: {  	v4 =	vadd.f32 v4, v10;
	v7 =	vadd.f32 v7, v12;
	v12 =	vld [tilespmem:s29+$0xB0]  }
0x77: {  	v14 =	vadd.f32 v17, v5;
	v15 =	vadd.f32 v20, v6;
	v10 =	vld [tilespmem:s29+$0xE0]  }
0x78: {  	v16 =	vadd.f32 v16, v4;
	v17 =	vadd.f32 v13, v7;
	v13 =	vld [tilespmem:s29+$0xF0];
	s29 =	sadd.s32 $0x200, s29  }
0x79: {  	s28 =	sshll.u32 s26, $0x8  }
0x7a: {  	s28 =	sand.u32 $0x3FFFFF00, s28  }
0x7b: {  	s29 =	sadd.s32 $0x300, s28  }
0x7c: {  	[tilespmem:s18], [sflag:$0x2] =	stream.indirect.gather [hbm4b:s3+s11], $0x40, s29, s11, $0xb8;
	[tilespmem:$0x12440] =	vst v63  }
0x7d: {  	_ =	swait.ge [sflag:s23], $0x2000  }
0x7e: {  	[sflag:s23] =	ssyncset.done $0x0  }
0x7f: {  	s30 =	simm.s32 $0x10500;
	[sflag:s23] =	ssyncadd.s32 $0xFFFFE000  }
0x80: {  	v4 =	vld [tilespmem:s30+$0xC0]  }
0x81: {  	v5 =	vld [tilespmem:s30+$0xD0]  }
0x82: {  	v6 =	vld [tilespmem:s30+$0x80]  }
0x83: {  	v7 =	vld [tilespmem:s30+$0x90]  }
0x84: {  	v18 =	vld [tilespmem:s30+$0x40]  }
0x85: {  	v19 =	vld [tilespmem:s30+$0x50]  }
0x86: {  	v20 =	vld [tilespmem:s30+$0x0]  }
0x87: {  	v21 =	vld [tilespmem:s30+$0x10]  }
0x88: {  	v22 =	vld [tilespmem:s30+$0xFFFFFFC0]  }
0x89: {  	v23 =	vld [tilespmem:s30+$0xFFFFFFD0]  }
0x8a: {  	v24 =	vld [tilespmem:s30+$0xFFFFFF80]  }
0x8b: {  	v25 =	vld [tilespmem:s30+$0xFFFFFF90]  }
0x8c: {  	v26 =	vld [tilespmem:s30+$0xFFFFFF40]  }
0x8d: {  	v27 =	vld [tilespmem:s30+$0xFFFFFF50]  }
0x8e: {  	v28 =	vld [tilespmem:s30+$0xFFFFFF00]  }
0x8f: {  	v29 =	vld [tilespmem:s30+$0xFFFFFF10]  }
0x90: {  	v8 =	vadd.f32 v8, v14;
	v11 =	vadd.f32 v11, v15;
	v14 =	vld [tilespmem:s30+$0xFFFFFF20]  }
0x91: {  	v2 =	vadd.f32 v2, v16;
	v3 =	vadd.f32 v3, v17;
	v15 =	vld [tilespmem:s30+$0xFFFFFF30]  }
0x92: {  	v8 =	vadd.f32 v9, v8;
	v9 =	vadd.f32 v12, v11;
	v11 =	vld [tilespmem:s30+$0xFFFFFF60]  }
0x93: {  	v0 =	vadd.f32 v0, v2;
	v1 =	vadd.f32 v1, v3;
	v2 =	vld [tilespmem:s30+$0xFFFFFF70]  }
0x94: {  	v3 =	vadd.f32 v10, v8;
	v8 =	vadd.f32 v13, v9;
	v9 =	vld [tilespmem:s30+$0xFFFFFFA0]  }
0x95: {  	v10 =	vld [tilespmem:s30+$0xFFFFFFB0];
	v0 =	vadd.f32 v28, v0;
	v1 =	vadd.f32 v29, v1  }
0x96: {  	v12 =	vld [tilespmem:s30+$0xFFFFFFE0];
	v3 =	vadd.f32 v14, v3;
	v8 =	vadd.f32 v15, v8  }
0x97: {  	v13 =	vld [tilespmem:s30+$0xFFFFFFF0];
	v0 =	vadd.f32 v26, v0;
	v1 =	vadd.f32 v27, v1  }
0x98: {  	v14 =	vld [tilespmem:s30+$0x30];
	v3 =	vadd.f32 v11, v3;
	v2 =	vadd.f32 v2, v8  }
0x99: {  	v11 =	vld [tilespmem:s30+$0x20];
	v8 =	vadd.f32 v24, v0;
	v1 =	vadd.f32 v25, v1  }
0x9a: {  	v9 =	vadd.f32 v9, v3;
	v2 =	vadd.f32 v10, v2;
	v0 =	vld [tilespmem:s30+$0x60]  }
0x9b: {  	v3 =	vld [tilespmem:s30+$0x70];
	v8 =	vadd.f32 v22, v8;
	v10 =	vadd.f32 v23, v1  }
0x9c: {  	v9 =	vadd.f32 v12, v9;
	v2 =	vadd.f32 v13, v2;
	v1 =	vld [tilespmem:s30+$0xA0]  }
0x9d: {  	v12 =	vadd.f32 v20, v8;
	v13 =	vadd.f32 v21, v10;
	v8 =	vld [tilespmem:s30+$0xB0]  }
0x9e: {  	v10 =	vadd.f32 v11, v9;
	v11 =	vadd.f32 v14, v2;
	v2 =	vld [tilespmem:s30+$0xE0]  }
0x9f: {  	s29 =	simm.s32 $0x0;
	v9 =	vld [tilespmem:s30+$0xF0];
	s30 =	simm.s32 $0x10700;
	v12 =	vadd.f32 v18, v12;
	v13 =	vadd.f32 v19, v13  }
.LBB2_5:
0xa0: {  	v14 =	vld [tilespmem:s30+$0xC0];
	v0 =	vadd.f32 v0, v10;
	v3 =	vadd.f32 v3, v11  }
0xa1: {  	v10 =	vld [tilespmem:s30+$0xD0];
	v11 =	vadd.f32 v6, v12;
	v12 =	vadd.f32 v7, v13  }
0xa2: {  	v6 =	vld [tilespmem:s30+$0x80];
	v0 =	vadd.f32 v1, v0;
	v1 =	vadd.f32 v8, v3  }
0xa3: {  	v7 =	vld [tilespmem:s30+$0x90];
	v3 =	vadd.f32 v4, v11;
	v8 =	vadd.f32 v5, v12  }
0xa4: {  	v12 =	vld [tilespmem:s30+$0x40];
	v0 =	vadd.f32 v2, v0;
	v1 =	vadd.f32 v9, v1  }
0xa5: {  	v9 =	vld [tilespmem:s30+$0x50];
	v4 =	vmov v14  }
0xa6: {  	v2 =	vld [tilespmem:s30+$0x0];
	v5 =	vmov v10  }
0xa7: {  	v10 =	vld [tilespmem:s30+$0x10]  }
0xa8: {  	v11 =	vld [tilespmem:s30+$0xFFFFFFC0]  }
0xa9: {  	v13 =	vld [tilespmem:s30+$0xFFFFFFD0]  }
0xaa: {  	v14 =	vld [tilespmem:s30+$0xFFFFFF80]  }
0xab: {  	v15 =	vld [tilespmem:s30+$0xFFFFFF90]  }
0xac: {  	v16 =	vld [tilespmem:s30+$0xFFFFFF40]  }
0xad: {  	v17 =	vld [tilespmem:s30+$0xFFFFFF50]  }
0xae: {  	v18 =	vld [tilespmem:s30+$0xFFFFFF00]  }
0xaf: {  	v19 =	vld [tilespmem:s30+$0xFFFFFF10]  }
0xb0: {  	v20 =	vld [tilespmem:s30+$0xFFFFFF20]  }
0xb1: {  	s29 =	sadd.s32 $0x8, s29;
	v21 =	vld [tilespmem:s30+$0xFFFFFF30]  }
0xb2: {  	p0 =	slt.u32 s29, $0x78;
	v22 =	vld [tilespmem:s30+$0xFFFFFF60]  }
0xb3: {  	v23 =	vld [tilespmem:s30+$0xFFFFFF70]  }
0xb4: {  	v24 =	vld [tilespmem:s30+$0xFFFFFFA0]  }
0xb5: {  	v3 =	vadd.f32 v18, v3;
	v8 =	vadd.f32 v19, v8;
	v18 =	vld [tilespmem:s30+$0xFFFFFFB0]  }
0xb6: {  	v0 =	vadd.f32 v20, v0;
	v1 =	vadd.f32 v21, v1;
	v19 =	vld [tilespmem:s30+$0xFFFFFFE0]  }
0xb7: {  	v3 =	vadd.f32 v16, v3;
	v8 =	vadd.f32 v17, v8;
	v16 =	vld [tilespmem:s30+$0xFFFFFFF0]  }
0xb8: {  	v0 =	vadd.f32 v22, v0;
	v1 =	vadd.f32 v23, v1;
	v17 =	vld [tilespmem:s30+$0x20]  }
0xb9: {  	v3 =	vadd.f32 v14, v3;
	v8 =	vadd.f32 v15, v8;
	v14 =	vld [tilespmem:s30+$0x30]  }
0xba: {  	v15 =	vadd.f32 v24, v0;
	v1 =	vadd.f32 v18, v1;
	v0 =	vld [tilespmem:s30+$0x60]  }
.Ltmp1:
0xbb: {  	v11 =	vadd.f32 v11, v3;
	v8 =	vadd.f32 v13, v8;
	v3 =	vld [tilespmem:s30+$0x70];
	(pc) =	sbr.rel @p0 .LBB2_5-.Ltmp1, $4  }
0xbc: {  	v13 =	vadd.f32 v19, v15;
	v15 =	vadd.f32 v16, v1;
	v1 =	vld [tilespmem:s30+$0xA0]  }
0xbd: {  	v16 =	vadd.f32 v2, v11;
	v18 =	vadd.f32 v10, v8;
	v8 =	vld [tilespmem:s30+$0xB0]  }
0xbe: {  	v10 =	vadd.f32 v17, v13;
	v11 =	vadd.f32 v14, v15;
	v2 =	vld [tilespmem:s30+$0xE0]  }
0xbf: {  	v12 =	vadd.f32 v12, v16;
	v13 =	vadd.f32 v9, v18;
	v9 =	vld [tilespmem:s30+$0xF0];
	s30 =	sadd.s32 $0x200, s30  }
0xc0: {  	s26 =	sadd.s32 $0x1, s26  }
0xc1: {  	p0 =	sne.s32 s26, $0x61  }
.Ltmp2:
0xc2: {  	v0 =	vadd.f32 v0, v10;
	v3 =	vadd.f32 v3, v11;
	(pc) =	sbr.rel @p0 .LBB2_2-.Ltmp2, $4  }
0xc3: {  	v6 =	vadd.f32 v6, v12;
	v62 =	vadd.f32 v7, v13  }
0xc4: {  	v0 =	vadd.f32 v1, v0;
	v63 =	vadd.f32 v8, v3  }
0xc5: {  	s28 =	sadd.s32 $0x380, s28;
	v7 =	vadd.f32 v4, v6;
	v6 =	vadd.f32 v5, v62  }
0xc6: {  	[tilespmem:s20], [sflag:$0x3] =	stream.indirect.gather [hbm4b:s3+s11], $0x40, s28, s11, $0xb8;
	v5 =	vadd.f32 v2, v0;
	v4 =	vadd.f32 v9, v63;
	[tilespmem:$0x12440] =	vst v63  }
0xc7: {  	_ =	swait.ge [sflag:s22], $0x2000  }
0xc8: {  	[sflag:s22] =	ssyncset.done $0x0  }
0xc9: {  	s28 =	simm.s32 $0xE500;
	[sflag:s22] =	ssyncadd.s32 $0xFFFFE000  }
0xca: {  	v0 =	vld [tilespmem:s28+$0xC0]  }
0xcb: {  	v1 =	vld [tilespmem:s28+$0xD0]  }
0xcc: {  	v2 =	vld [tilespmem:s28+$0x80]  }
0xcd: {  	v3 =	vld [tilespmem:s28+$0x90]  }
0xce: {  	v13 =	vld [tilespmem:s28+$0x40]  }
0xcf: {  	v17 =	vld [tilespmem:s28+$0x50]  }
0xd0: {  	v10 =	vld [tilespmem:s28+$0x0]  }
0xd1: {  	v12 =	vld [tilespmem:s28+$0x10]  }
0xd2: {  	v9 =	vld [tilespmem:s28+$0xFFFFFFC0]  }
0xd3: {  	v11 =	vld [tilespmem:s28+$0xFFFFFFD0]  }
0xd4: {  	v8 =	vld [tilespmem:s28+$0xFFFFFF80]  }
0xd5: {  	v14 =	vld [tilespmem:s28+$0xFFFFFF90]  }
0xd6: {  	v15 =	vld [tilespmem:s28+$0xFFFFFF40]  }
0xd7: {  	v16 =	vld [tilespmem:s28+$0xFFFFFF50]  }
0xd8: {  	v18 =	vld [tilespmem:s28+$0xFFFFFF00]  }
0xd9: {  	v19 =	vld [tilespmem:s28+$0xFFFFFF10]  }
0xda: {  	v20 =	vld [tilespmem:s28+$0xFFFFFF20]  }
0xdb: {  	v21 =	vld [tilespmem:s28+$0xFFFFFF30]  }
0xdc: {  	v22 =	vld [tilespmem:s28+$0xFFFFFF60]  }
0xdd: {  	v23 =	vld [tilespmem:s28+$0xFFFFFF70]  }
0xde: {  	v24 =	vld [tilespmem:s28+$0xFFFFFFA0]  }
0xdf: {  	v7 =	vadd.f32 v18, v7;
	v6 =	vadd.f32 v19, v6;
	v18 =	vld [tilespmem:s28+$0xFFFFFFB0]  }
0xe0: {  	v5 =	vadd.f32 v20, v5;
	v4 =	vadd.f32 v21, v4;
	v19 =	vld [tilespmem:s28+$0xFFFFFFE0]  }
0xe1: {  	v7 =	vadd.f32 v15, v7;
	v6 =	vadd.f32 v16, v6;
	v15 =	vld [tilespmem:s28+$0xFFFFFFF0]  }
0xe2: {  	v63 =	vld [tilespmem:s28+$0x30];
	v5 =	vadd.f32 v22, v5;
	v4 =	vadd.f32 v23, v4  }
0xe3: {  	v16 =	vld [tilespmem:s28+$0x20];
	v7 =	vadd.f32 v8, v7;
	v6 =	vadd.f32 v14, v6  }
0xe4: {  	v5 =	vadd.f32 v24, v5;
	v8 =	vld [tilespmem:s28+$0x60];
	v4 =	vadd.f32 v18, v4  }
0xe5: {  	v7 =	vadd.f32 v9, v7;
	v6 =	vadd.f32 v11, v6;
	v11 =	vld [tilespmem:s28+$0x70]  }
0xe6: {  	v5 =	vadd.f32 v19, v5;
	v9 =	vld [tilespmem:s28+$0xA0];
	v4 =	vadd.f32 v15, v4  }
0xe7: {  	v7 =	vadd.f32 v10, v7;
	v6 =	vadd.f32 v12, v6;
	v12 =	vld [tilespmem:s28+$0xB0]  }
0xe8: {  	v14 =	vadd.f32 v16, v5;
	v10 =	vld [tilespmem:s28+$0xE0];
	v15 =	vadd.f32 v63, v4  }
0xe9: {  	s26 =	simm.s32 $0x0;
	v16 =	vadd.f32 v13, v7;
	v17 =	vadd.f32 v17, v6;
	v13 =	vld [tilespmem:s28+$0xF0];
	s28 =	simm.s32 $0xE700  }
.LBB2_8:
0xea: {  	v4 =	vld [tilespmem:s28+$0xC0];
	v5 =	vadd.f32 v8, v14;
	v6 =	vadd.f32 v11, v15  }
0xeb: {  	v7 =	vld [tilespmem:s28+$0xD0];
	v8 =	vadd.f32 v2, v16;
	v11 =	vadd.f32 v3, v17  }
0xec: {  	v2 =	vld [tilespmem:s28+$0x80];
	v5 =	vadd.f32 v9, v5;
	v6 =	vadd.f32 v12, v6  }
0xed: {  	v3 =	vld [tilespmem:s28+$0x90];
	v8 =	vadd.f32 v0, v8;
	v9 =	vadd.f32 v1, v11  }
0xee: {  	v16 =	vld [tilespmem:s28+$0x40];
	v5 =	vadd.f32 v10, v5;
	v6 =	vadd.f32 v13, v6  }
0xef: {  	v13 =	vld [tilespmem:s28+$0x50];
	v0 =	vmov v4  }
0xf0: {  	v4 =	vld [tilespmem:s28+$0x0];
	v1 =	vmov v7  }
0xf1: {  	v7 =	vld [tilespmem:s28+$0x10]  }
0xf2: {  	v10 =	vld [tilespmem:s28+$0xFFFFFFC0]  }
0xf3: {  	v11 =	vld [tilespmem:s28+$0xFFFFFFD0]  }
0xf4: {  	v12 =	vld [tilespmem:s28+$0xFFFFFF80]  }
0xf5: {  	v14 =	vld [tilespmem:s28+$0xFFFFFF90]  }
0xf6: {  	v15 =	vld [tilespmem:s28+$0xFFFFFF40]  }
0xf7: {  	v17 =	vld [tilespmem:s28+$0xFFFFFF50]  }
0xf8: {  	v18 =	vld [tilespmem:s28+$0xFFFFFF00]  }
0xf9: {  	v19 =	vld [tilespmem:s28+$0xFFFFFF10]  }
0xfa: {  	v20 =	vld [tilespmem:s28+$0xFFFFFF20]  }
0xfb: {  	s26 =	sadd.s32 $0x8, s26;
	v21 =	vld [tilespmem:s28+$0xFFFFFF30]  }
0xfc: {  	p0 =	slt.u32 s26, $0x78;
	v22 =	vld [tilespmem:s28+$0xFFFFFF60]  }
0xfd: {  	v23 =	vld [tilespmem:s28+$0xFFFFFF70]  }
0xfe: {  	v24 =	vld [tilespmem:s28+$0xFFFFFFA0]  }
0xff: {  	v8 =	vadd.f32 v18, v8;
	v9 =	vadd.f32 v19, v9;
	v18 =	vld [tilespmem:s28+$0xFFFFFFB0]  }
0x100: {  	v5 =	vadd.f32 v20, v5;
	v6 =	vadd.f32 v21, v6;
	v19 =	vld [tilespmem:s28+$0xFFFFFFE0]  }
0x101: {  	v8 =	vadd.f32 v15, v8;
	v9 =	vadd.f32 v17, v9;
	v15 =	vld [tilespmem:s28+$0xFFFFFFF0]  }
0x102: {  	v5 =	vadd.f32 v22, v5;
	v6 =	vadd.f32 v23, v6;
	v17 =	vld [tilespmem:s28+$0x20]  }
0x103: {  	v12 =	vadd.f32 v12, v8;
	v9 =	vadd.f32 v14, v9;
	v20 =	vld [tilespmem:s28+$0x30]  }
0x104: {  	v5 =	vadd.f32 v24, v5;
	v6 =	vadd.f32 v18, v6;
	v8 =	vld [tilespmem:s28+$0x60]  }
.Ltmp3:
0x105: {  	v10 =	vadd.f32 v10, v12;
	v12 =	vadd.f32 v11, v9;
	v11 =	vld [tilespmem:s28+$0x70];
	(pc) =	sbr.rel @p0 .LBB2_8-.Ltmp3, $4  }
0x106: {  	v5 =	vadd.f32 v19, v5;
	v6 =	vadd.f32 v15, v6;
	v9 =	vld [tilespmem:s28+$0xA0]  }
0x107: {  	v4 =	vadd.f32 v4, v10;
	v7 =	vadd.f32 v7, v12;
	v12 =	vld [tilespmem:s28+$0xB0]  }
0x108: {  	v14 =	vadd.f32 v17, v5;
	v15 =	vadd.f32 v20, v6;
	v10 =	vld [tilespmem:s28+$0xE0]  }
0x109: {  	v16 =	vadd.f32 v16, v4;
	v17 =	vadd.f32 v13, v7;
	v13 =	vld [tilespmem:s28+$0xF0];
	s28 =	sadd.s32 $0x200, s28  }
0x10a: {  	_ =	swait.ge [sflag:s23], $0x2000  }
0x10b: {  	[sflag:s23] =	ssyncset.done $0x0  }
0x10c: {  	s28 =	simm.s32 $0x10500;
	[sflag:s23] =	ssyncadd.s32 $0xFFFFE000  }
0x10d: {  	v4 =	vld [tilespmem:s28+$0xC0]  }
0x10e: {  	v5 =	vld [tilespmem:s28+$0xD0]  }
0x10f: {  	v6 =	vld [tilespmem:s28+$0x80]  }
0x110: {  	v7 =	vld [tilespmem:s28+$0x90]  }
0x111: {  	v18 =	vld [tilespmem:s28+$0x40]  }
0x112: {  	v19 =	vld [tilespmem:s28+$0x50]  }
0x113: {  	v20 =	vld [tilespmem:s28+$0x0]  }
0x114: {  	v21 =	vld [tilespmem:s28+$0x10]  }
0x115: {  	v22 =	vld [tilespmem:s28+$0xFFFFFFC0]  }
0x116: {  	v23 =	vld [tilespmem:s28+$0xFFFFFFD0]  }
0x117: {  	v24 =	vld [tilespmem:s28+$0xFFFFFF80]  }
0x118: {  	v25 =	vld [tilespmem:s28+$0xFFFFFF90]  }
0x119: {  	v26 =	vld [tilespmem:s28+$0xFFFFFF40]  }
0x11a: {  	v27 =	vld [tilespmem:s28+$0xFFFFFF50]  }
0x11b: {  	v28 =	vld [tilespmem:s28+$0xFFFFFF00]  }
0x11c: {  	v29 =	vld [tilespmem:s28+$0xFFFFFF10]  }
0x11d: {  	v8 =	vadd.f32 v8, v14;
	v11 =	vadd.f32 v11, v15;
	v14 =	vld [tilespmem:s28+$0xFFFFFF20]  }
0x11e: {  	v2 =	vadd.f32 v2, v16;
	v3 =	vadd.f32 v3, v17;
	v15 =	vld [tilespmem:s28+$0xFFFFFF30]  }
0x11f: {  	v8 =	vadd.f32 v9, v8;
	v9 =	vadd.f32 v12, v11;
	v11 =	vld [tilespmem:s28+$0xFFFFFF60]  }
0x120: {  	v0 =	vadd.f32 v0, v2;
	v1 =	vadd.f32 v1, v3;
	v2 =	vld [tilespmem:s28+$0xFFFFFF70]  }
0x121: {  	v3 =	vadd.f32 v10, v8;
	v8 =	vadd.f32 v13, v9;
	v9 =	vld [tilespmem:s28+$0xFFFFFFA0]  }
0x122: {  	v10 =	vld [tilespmem:s28+$0xFFFFFFB0];
	v0 =	vadd.f32 v28, v0;
	v1 =	vadd.f32 v29, v1  }
0x123: {  	v12 =	vld [tilespmem:s28+$0xFFFFFFE0];
	v3 =	vadd.f32 v14, v3;
	v8 =	vadd.f32 v15, v8  }
0x124: {  	v13 =	vld [tilespmem:s28+$0xFFFFFFF0];
	v0 =	vadd.f32 v26, v0;
	v1 =	vadd.f32 v27, v1  }
0x125: {  	v14 =	vld [tilespmem:s28+$0x30];
	v3 =	vadd.f32 v11, v3;
	v2 =	vadd.f32 v2, v8  }
0x126: {  	v11 =	vld [tilespmem:s28+$0x20];
	v8 =	vadd.f32 v24, v0;
	v1 =	vadd.f32 v25, v1  }
0x127: {  	v3 =	vadd.f32 v9, v3;
	v9 =	vadd.f32 v10, v2;
	v0 =	vld [tilespmem:s28+$0x60]  }
0x128: {  	v2 =	vld [tilespmem:s28+$0x70];
	v8 =	vadd.f32 v22, v8;
	v10 =	vadd.f32 v23, v1  }
0x129: {  	v3 =	vadd.f32 v12, v3;
	v9 =	vadd.f32 v13, v9;
	v1 =	vld [tilespmem:s28+$0xA0]  }
0x12a: {  	v12 =	vadd.f32 v20, v8;
	v15 =	vadd.f32 v21, v10;
	v8 =	vld [tilespmem:s28+$0xB0]  }
0x12b: {  	v11 =	vadd.f32 v11, v3;
	v10 =	vadd.f32 v14, v9;
	v3 =	vld [tilespmem:s28+$0xE0]  }
0x12c: {  	s26 =	simm.s32 $0x0;
	v9 =	vld [tilespmem:s28+$0xF0];
	s28 =	simm.s32 $0x10700;
	v13 =	vadd.f32 v18, v12;
	v12 =	vadd.f32 v19, v15  }
.LBB2_10:
0x12d: {  	v14 =	vld [tilespmem:s28+$0xC0];
	v0 =	vadd.f32 v0, v11;
	v2 =	vadd.f32 v2, v10  }
0x12e: {  	v10 =	vld [tilespmem:s28+$0xD0];
	v11 =	vadd.f32 v6, v13;
	v12 =	vadd.f32 v7, v12  }
0x12f: {  	v6 =	vld [tilespmem:s28+$0x80];
	v0 =	vadd.f32 v1, v0;
	v1 =	vadd.f32 v8, v2  }
0x130: {  	v7 =	vld [tilespmem:s28+$0x90];
	v2 =	vadd.f32 v4, v11;
	v8 =	vadd.f32 v5, v12  }
0x131: {  	v12 =	vld [tilespmem:s28+$0x40];
	v0 =	vadd.f32 v3, v0;
	v1 =	vadd.f32 v9, v1  }
0x132: {  	v9 =	vld [tilespmem:s28+$0x50];
	v4 =	vmov v14  }
0x133: {  	v3 =	vld [tilespmem:s28+$0x0];
	v5 =	vmov v10  }
0x134: {  	v10 =	vld [tilespmem:s28+$0x10]  }
0x135: {  	v11 =	vld [tilespmem:s28+$0xFFFFFFC0]  }
0x136: {  	v13 =	vld [tilespmem:s28+$0xFFFFFFD0]  }
0x137: {  	v14 =	vld [tilespmem:s28+$0xFFFFFF80]  }
0x138: {  	v15 =	vld [tilespmem:s28+$0xFFFFFF90]  }
0x139: {  	v16 =	vld [tilespmem:s28+$0xFFFFFF40]  }
0x13a: {  	v17 =	vld [tilespmem:s28+$0xFFFFFF50]  }
0x13b: {  	v18 =	vld [tilespmem:s28+$0xFFFFFF00]  }
0x13c: {  	v19 =	vld [tilespmem:s28+$0xFFFFFF10]  }
0x13d: {  	v20 =	vld [tilespmem:s28+$0xFFFFFF20]  }
0x13e: {  	s26 =	sadd.s32 $0x8, s26;
	v21 =	vld [tilespmem:s28+$0xFFFFFF30]  }
0x13f: {  	p0 =	slt.u32 s26, $0x78;
	v22 =	vld [tilespmem:s28+$0xFFFFFF60]  }
0x140: {  	v23 =	vld [tilespmem:s28+$0xFFFFFF70]  }
0x141: {  	v24 =	vld [tilespmem:s28+$0xFFFFFFA0]  }
0x142: {  	v2 =	vadd.f32 v18, v2;
	v8 =	vadd.f32 v19, v8;
	v18 =	vld [tilespmem:s28+$0xFFFFFFB0]  }
0x143: {  	v0 =	vadd.f32 v20, v0;
	v1 =	vadd.f32 v21, v1;
	v19 =	vld [tilespmem:s28+$0xFFFFFFE0]  }
0x144: {  	v2 =	vadd.f32 v16, v2;
	v8 =	vadd.f32 v17, v8;
	v16 =	vld [tilespmem:s28+$0xFFFFFFF0]  }
0x145: {  	v0 =	vadd.f32 v22, v0;
	v1 =	vadd.f32 v23, v1;
	v17 =	vld [tilespmem:s28+$0x20]  }
0x146: {  	v2 =	vadd.f32 v14, v2;
	v8 =	vadd.f32 v15, v8;
	v14 =	vld [tilespmem:s28+$0x30]  }
0x147: {  	v15 =	vadd.f32 v24, v0;
	v1 =	vadd.f32 v18, v1;
	v0 =	vld [tilespmem:s28+$0x60]  }
.Ltmp4:
0x148: {  	v11 =	vadd.f32 v11, v2;
	v8 =	vadd.f32 v13, v8;
	v2 =	vld [tilespmem:s28+$0x70];
	(pc) =	sbr.rel @p0 .LBB2_10-.Ltmp4, $4  }
0x149: {  	v13 =	vadd.f32 v19, v15;
	v15 =	vadd.f32 v16, v1;
	v1 =	vld [tilespmem:s28+$0xA0]  }
0x14a: {  	v16 =	vadd.f32 v3, v11;
	v18 =	vadd.f32 v10, v8;
	v8 =	vld [tilespmem:s28+$0xB0]  }
0x14b: {  	v11 =	vadd.f32 v17, v13;
	v10 =	vadd.f32 v14, v15;
	v3 =	vld [tilespmem:s28+$0xE0]  }
0x14c: {  	v13 =	vadd.f32 v12, v16;
	v12 =	vadd.f32 v9, v18;
	v9 =	vld [tilespmem:s28+$0xF0];
	s28 =	sadd.s32 $0x200, s28  }
0x14d: {  	_ = 	snop  }
0x14e: {  	v0 =	vadd.f32 v0, v11;
	v6 =	vadd.f32 v6, v13  }
0x14f: {  	v2 =	vadd.f32 v2, v10;
	v7 =	vadd.f32 v7, v12  }
0x150: {  	v0 =	vadd.f32 v1, v0;
	v61 =	vadd.f32 v4, v6  }
0x151: {  	v2 =	vadd.f32 v8, v2;
	v62 =	vadd.f32 v5, v7  }
0x152: {  	v0 =	vadd.f32 v3, v0;
	[tilespmem:$0x12400] =	vst v61  }
0x153: {  	s25 =	sadd.s32 $0x1, s25;
	v63 =	vadd.f32 v9, v2;
	[tilespmem:$0x12410] =	vst v62  }
0x154: {  	p0 =	sne.s32 s25, s8;
	[tilespmem:$0x12420] =	vst v0  }
.Ltmp5:
0x155: {  	[tilespmem:$0x12430] =	vst v63;
	(pc) =	sbr.rel @p0 .LBB2_1-.Ltmp5, $4  }
0x156: {  	[hbm4b:s7+s2] =	stream.linear.scatter [tilespmem:s24], [sflag:$0x4], $0x40, $0x38;
	[tilespmem:$0x12440] =	vst v63  }
0x157: {  	_ =	swait.ge [sflag:s9], $0x40  }
0x158: {  	[sflag:s9] =	ssyncset.done $0x0  }
0x159: {  	[sflag:s9] =	ssyncadd.s32 $0xFFFFFFC0  }
0x15a: {  	_ =	sfence.sel $0x180000  }
0x15b: {  	[bflag:$0x0] =	sbarrier.arrive $0xFFFF  }
0x15c: {  	p0 =	sne.s32 s1, $0x0;
	_ =	strace $0x90000047  }
0x15d: {  	s0 =	sadd.s32 @!p0 $0x100000, s0;
	[bflag:$0x2] =	sbarrier.arrive $0xFFFF  }
0x15e: {  	[sflag:s0] =	ssyncadd.tile.s32 @!p0 $0x1;
	_ =	shalt  }
.Lfunc_end2:
_tile_overlayer_lowered:
.L_overlay_start_2:
0x15f: {  	(tag) =	ssettag $0x2  }
0x160: {  	s0 =	rddreg [dreg:$0x0];
	s2 =	stileid.u32  }
0x161: {  	s1 =	rddreg [dreg:$0x1];
	p0 =	sne.s32 s2, $0x0  }
0x162: {  	s3 =	rddreg [dreg:$0x2];
	[bflag:$0x3] =	sbarrier.arrive $0xFFFF;
	s2 =	simm.s32 @!p0 $0x1C04  }
0x163: {  	[timem:s3], [sflag:s2] =	dma.local @!p0 [hbm:s0], s1  }
0x164: {  	s0 =	simm.s32 @!p0 $0x4  }
0x165: {  	_ =	swait.ge @!p0 [sflag:s0], s1  }
0x166: {  	s1 =	ssub.s32 @!p0 $0x0, s1;
	[sflag:s0] =	ssyncset.done @!p0 $0x0  }
0x167: {  	[sflag:s0] =	ssyncadd.s32 @!p0 s1  }
0x168: {  	[bflag:$0x3] =	sbarrier.arrive $0xFFFF  }
0x169: {  	_ =	shalt  }

</sc_bundles>
